<compile_context>
chip_gen: v7x
topology: tpu7x:2x2x1
jax: 0.10.2.dev20260603
libtpu: 0.0.44.dev20260713+nightly
codegen_flags: <defaults>
</compile_context>

<pallas_src>
import functools

import jax
import jax.numpy as jnp
from jax import lax
from jax.experimental import pallas as pl
from jax.experimental.pallas import tpu as pltpu
from jax.experimental.pallas import tpu_sc as plsc

N = 10000
E = 160000
P = 32
H = 8
C = 32
OUT = 256
NUM_IDS = 1000
HALF = 128

NB = 1000
EB = 1000

NW = 32
EPW = E // NW
GB = 40
SPT = E // 16


def _proj_body(x_ref, win_ref, bin_ref, wl_ref, wr_ref, gl_ref, gr_ref):
    h0 = jnp.dot(x_ref[...], win_ref[...],
                 preferred_element_type=jnp.float32) + bin_ref[...]
    gl_ref[...] = jnp.dot(h0, wl_ref[...], preferred_element_type=jnp.float32)
    gr_ref[...] = jnp.dot(h0, wr_ref[...], preferred_element_type=jnp.float32)


def _project(x, W_in, b_in, W_l, W_r):
    return pl.pallas_call(
        _proj_body,
        grid=(N // NB,),
        in_specs=[
            pl.BlockSpec((NB, 16), lambda i: (i, 0)),
            pl.BlockSpec((16, P), lambda i: (0, 0)),
            pl.BlockSpec((1, P), lambda i: (0, 0)),
            pl.BlockSpec((P, OUT), lambda i: (0, 0)),
            pl.BlockSpec((P, OUT), lambda i: (0, 0)),
        ],
        out_specs=[
            pl.BlockSpec((NB, OUT), lambda i: (i, 0)),
            pl.BlockSpec((NB, OUT), lambda i: (i, 0)),
        ],
        out_shape=[
            jax.ShapeDtypeStruct((N, OUT), jnp.float32),
            jax.ShapeDtypeStruct((N, OUT), jnp.float32),
        ],
    )(x, W_in, b_in.reshape(1, P), W_l, W_r)


def _gather_body(gl_hbm, gr_hbm, src_hbm, dst_hbm, glg_hbm, grg_hbm,
                 idxa_v, idxb_v, rowsa_v, rowsb_v, sema, semb):
    wid = lax.axis_index("s") * 2 + lax.axis_index("c")
    base_w = wid * EPW

    def blk(i, _):
        base = base_w + i * GB
        sl = pl.ds(base, GB)
        pltpu.sync_copy(src_hbm.at[sl], idxa_v)
        pltpu.sync_copy(dst_hbm.at[sl], idxb_v)
        cpa = pltpu.async_copy(gl_hbm.at[idxa_v], rowsa_v, sema)
        cpb = pltpu.async_copy(gr_hbm.at[idxb_v], rowsb_v, semb)
        cpa.wait()
        pltpu.sync_copy(rowsa_v, glg_hbm.at[sl])
        cpb.wait()
        pltpu.sync_copy(rowsb_v, grg_hbm.at[sl])
        return _

    lax.fori_loop(0, EPW // GB, blk, None)


def _sc_gather(gl, gr, src, dst):
    mesh = plsc.VectorSubcoreMesh(core_axis_name="c", subcore_axis_name="s")
    fn = pl.kernel(
        _gather_body,
        out_type=[
            jax.ShapeDtypeStruct((E, OUT), jnp.float32),
            jax.ShapeDtypeStruct((E, OUT), jnp.float32),
        ],
        mesh=mesh,
        scratch_types=[
            pltpu.VMEM((GB,), jnp.int32),
            pltpu.VMEM((GB,), jnp.int32),
            pltpu.VMEM((GB, OUT), jnp.float32),
            pltpu.VMEM((GB, OUT), jnp.float32),
            pltpu.SemaphoreType.DMA,
            pltpu.SemaphoreType.DMA,
        ],
    )
    return fn(gl, gr, src, dst)


def _edge_body(glg_ref, grg_ref, attr_ref, we_ref, amat_ref,
               msg0_ref, msg1_ref, w_ref):
    ga = glg_ref[...]
    m = ga + grg_ref[...] + attr_ref[...] * we_ref[...]
    m = jnp.maximum(m, 0.2 * m)
    score = jnp.dot(m, amat_ref[...],
                    preferred_element_type=jnp.float32)
    w = jnp.exp(score)
    wide = jnp.broadcast_to(w[:, :, None], (EB, H, C)).reshape(EB, OUT)
    msg = wide * ga
    msg0_ref[...] = msg[:, :HALF]
    msg1_ref[...] = msg[:, HALF:]
    w_ref[...] = jnp.concatenate(
        [w, jnp.zeros((EB, 120), jnp.float32)], axis=1)


def _edge_dense(glg, grg, edge_attr, W_e, att):
    amat = (att[:, :, None] * jnp.eye(H, dtype=jnp.float32)[:, None, :]
            ).reshape(OUT, H)
    return pl.pallas_call(
        _edge_body,
        grid=(E // EB,),
        in_specs=[
            pl.BlockSpec((EB, OUT), lambda i: (i, 0)),
            pl.BlockSpec((EB, OUT), lambda i: (i, 0)),
            pl.BlockSpec((EB, 1), lambda i: (i, 0)),
            pl.BlockSpec((1, OUT), lambda i: (0, 0)),
            pl.BlockSpec((OUT, H), lambda i: (0, 0)),
        ],
        out_specs=[
            pl.BlockSpec((EB, HALF), lambda i: (i, 0)),
            pl.BlockSpec((EB, HALF), lambda i: (i, 0)),
            pl.BlockSpec((EB, HALF), lambda i: (i, 0)),
        ],
        out_shape=[
            jax.ShapeDtypeStruct((E, HALF), jnp.float32),
            jax.ShapeDtypeStruct((E, HALF), jnp.float32),
            jax.ShapeDtypeStruct((E, HALF), jnp.float32),
        ],
    )(glg, grg, edge_attr, W_e.reshape(1, OUT), amat)


def _scat_num_body(msg0_hbm, msg1_hbm, dst_hbm, zn_hbm,
                   num0_hbm, num1_hbm, idx_v, rows_v, num_acc):
    cid = lax.axis_index("c")
    sid = lax.axis_index("s")

    @pl.when(sid < 10)
    def _init():
        pltpu.sync_copy(zn_hbm, rows_v)

        def zblk(k, _):
            pltpu.sync_copy(rows_v, num_acc.at[pl.ds(sid * 1000 + k * GB, GB)])
            return _

        lax.fori_loop(0, 1000 // GB, zblk, None)

    plsc.subcore_barrier()

    def blk(i, _):
        base = sid * SPT + i * GB
        pltpu.sync_copy(dst_hbm.at[pl.ds(base, GB)], idx_v)

        @pl.when(cid == 0)
        def _lo():
            pltpu.sync_copy(msg0_hbm.at[pl.ds(base, GB)], rows_v)

        @pl.when(cid == 1)
        def _hi():
            pltpu.sync_copy(msg1_hbm.at[pl.ds(base, GB)], rows_v)

        pltpu.sync_copy(rows_v, num_acc.at[idx_v], add=True)
        return _

    lax.fori_loop(0, SPT // GB, blk, None)
    plsc.subcore_barrier()

    @pl.when(sid < 10)
    def _out():
        def oblk(k, _):
            sl = pl.ds(sid * 1000 + k * GB, GB)
            pltpu.sync_copy(num_acc.at[sl], rows_v)

            @pl.when(cid == 0)
            def _lo():
                pltpu.sync_copy(rows_v, num0_hbm.at[sl])

            @pl.when(cid == 1)
            def _hi():
                pltpu.sync_copy(rows_v, num1_hbm.at[sl])

            return _

        lax.fori_loop(0, 1000 // GB, oblk, None)


def _scat_den_body(wpad_hbm, dst_hbm, zd_hbm, den0_hbm, den1_hbm,
                   idx_v, wrows_v, den_acc):
    cid = lax.axis_index("c")
    sid = lax.axis_index("s")

    @pl.when(sid < 10)
    def _init():
        pltpu.sync_copy(zd_hbm, wrows_v)

        def zblk(k, _):
            pltpu.sync_copy(wrows_v, den_acc.at[pl.ds(sid * 1000 + k * GB, GB)])
            return _

        lax.fori_loop(0, 1000 // GB, zblk, None)

    plsc.subcore_barrier()

    def blk(i, _):
        base = cid * (E // 2) + sid * (E // 32) + i * GB
        pltpu.sync_copy(dst_hbm.at[pl.ds(base, GB)], idx_v)
        pltpu.sync_copy(wpad_hbm.at[pl.ds(base, GB)], wrows_v)
        pltpu.sync_copy(wrows_v, den_acc.at[idx_v], add=True)
        return _

    lax.fori_loop(0, (E // 32) // GB, blk, None)
    plsc.subcore_barrier()

    @pl.when(sid < 10)
    def _out():
        def oblk(k, _):
            sl = pl.ds(sid * 1000 + k * GB, GB)
            pltpu.sync_copy(den_acc.at[sl], wrows_v)

            @pl.when(cid == 0)
            def _lo():
                pltpu.sync_copy(wrows_v, den0_hbm.at[sl])

            @pl.when(cid == 1)
            def _hi():
                pltpu.sync_copy(wrows_v, den1_hbm.at[sl])

            return _

        lax.fori_loop(0, 1000 // GB, oblk, None)


def _sc_scatter(msg0, msg1, wpad, dst):
    mesh = plsc.VectorSubcoreMesh(core_axis_name="c", subcore_axis_name="s")
    num_fn = pl.kernel(
        _scat_num_body,
        out_type=[
            jax.ShapeDtypeStruct((N, HALF), jnp.float32),
            jax.ShapeDtypeStruct((N, HALF), jnp.float32),
        ],
        mesh=mesh,
        scratch_types=[
            pltpu.VMEM((GB,), jnp.int32),
            pltpu.VMEM((GB, HALF), jnp.float32),
            pltpu.VMEM_SHARED((N, HALF), jnp.float32),
        ],
    )
    den_fn = pl.kernel(
        _scat_den_body,
        out_type=[
            jax.ShapeDtypeStruct((N, HALF), jnp.float32),
            jax.ShapeDtypeStruct((N, HALF), jnp.float32),
        ],
        mesh=mesh,
        scratch_types=[
            pltpu.VMEM((GB,), jnp.int32),
            pltpu.VMEM((GB, HALF), jnp.float32),
            pltpu.VMEM_SHARED((N, HALF), jnp.float32),
        ],
    )
    zn = jnp.zeros((GB, HALF), jnp.float32)
    zd = jnp.zeros((GB, HALF), jnp.float32)
    num0, num1 = num_fn(msg0, msg1, dst, zn)
    den0, den1 = den_fn(wpad, dst, zd)
    return num0, num1, den0, den1


def _head_body(num0_ref, num1_ref, den0_ref, den1_ref, wcls_ref, bcls_ref,
               out_ref):
    den = (den0_ref[...] + den1_ref[...])[:, :H] + 1e-16
    d0 = jnp.broadcast_to(den[:, :4, None], (NB, 4, C)).reshape(NB, HALF)
    d1 = jnp.broadcast_to(den[:, 4:, None], (NB, 4, C)).reshape(NB, HALF)
    h1 = jnp.concatenate([num0_ref[...] / d0, num1_ref[...] / d1], axis=1)
    h1 = jnp.where(h1 > 0, h1, jnp.exp(jnp.minimum(h1, 0.0)) - 1.0)
    out_ref[...] = jnp.dot(h1, wcls_ref[...],
                           preferred_element_type=jnp.float32) + bcls_ref[...]


def _head(num0, num1, den0, den1, W_cls, b_cls):
    return pl.pallas_call(
        _head_body,
        grid=(N // NB,),
        in_specs=[
            pl.BlockSpec((NB, HALF), lambda i: (i, 0)),
            pl.BlockSpec((NB, HALF), lambda i: (i, 0)),
            pl.BlockSpec((NB, HALF), lambda i: (i, 0)),
            pl.BlockSpec((NB, HALF), lambda i: (i, 0)),
            pl.BlockSpec((OUT, NUM_IDS), lambda i: (0, 0)),
            pl.BlockSpec((1, NUM_IDS), lambda i: (0, 0)),
        ],
        out_specs=pl.BlockSpec((NB, NUM_IDS), lambda i: (i, 0)),
        out_shape=jax.ShapeDtypeStruct((N, NUM_IDS), jnp.float32),
    )(num0, num1, den0, den1, W_cls, b_cls.reshape(1, NUM_IDS))


@jax.jit
def kernel(x_gnn, edge_index, edge_attr, W_in, b_in, W_l, W_r, W_e, att,
           W_cls, b_cls):
    src = edge_index[0].astype(jnp.int32)
    dst = edge_index[1].astype(jnp.int32)
    gl, gr = _project(x_gnn, W_in, b_in, W_l, W_r)
    glg, grg = _sc_gather(gl, gr, src, dst)
    msg0, msg1, wpad = _edge_dense(glg, grg, edge_attr, W_e, att)
    num0, num1, den0, den1 = _sc_scatter(msg0, msg1, wpad, dst)
    return _head(num0, num1, den0, den1, W_cls, b_cls)

# --- scband reference (transcript-rebuilt; emitter-appended) ---
"""Pipeline reference for scband-dual-view-idnet-3169685865387 (READ-ONLY COPY).

The authoritative reference and input builder live on the scoring server;
editing this copy changes nothing except your own understanding.
"""

import jax, jax.numpy as jnp
import numpy as np

# Shapes (GRAPH pool): N nodes, E edges
N = 10000
E = 160000
IN_DIM = 16          # 2 (pos) + k_feat=14, precomputed x_gnn
P = 32               # cfg.in_proj_out
H = 8                # cfg.heads
C = 32               # per-head out channels (out_dim = P*H = 256)
OUT = P * H          # 256
NUM_IDS = 1000       # num_real_ids


def setup_inputs(seed: int = 0) -> dict:
    key = jax.random.key(seed)
    ks = jax.random.split(key, 12)
    x_gnn = jax.random.normal(ks[0], (N, IN_DIM), dtype=jnp.float32)
    edge_index = jax.random.randint(ks[1], (2, E), 0, N, dtype=jnp.int64)
    edge_attr = jax.random.uniform(ks[2], (E, 1), dtype=jnp.float32)
    s = 0.1
    W_in = jax.random.normal(ks[3], (IN_DIM, P), dtype=jnp.float32) * s
    b_in = jnp.zeros((P,), dtype=jnp.float32)
    W_l = jax.random.normal(ks[4], (P, H * C), dtype=jnp.float32) * s
    W_r = jax.random.normal(ks[5], (P, H * C), dtype=jnp.float32) * s
    W_e = jax.random.normal(ks[6], (1, H * C), dtype=jnp.float32) * s
    att = jax.random.normal(ks[7], (H, C), dtype=jnp.float32) * s
    W_cls = jax.random.normal(ks[8], (OUT, NUM_IDS), dtype=jnp.float32) * s
    b_cls = jnp.zeros((NUM_IDS,), dtype=jnp.float32)
    return {
        'x_gnn': x_gnn, 'edge_index': edge_index, 'edge_attr': edge_attr,
        'W_in': W_in, 'b_in': b_in, 'W_l': W_l, 'W_r': W_r, 'W_e': W_e,
        'att': att, 'W_cls': W_cls, 'b_cls': b_cls,
    }


def reference(x_gnn, edge_index, edge_attr, W_in, b_in, W_l, W_r, W_e, att, W_cls, b_cls):
    # in_proj
    h0 = x_gnn @ W_in + b_in                              # [N, P]
    src = edge_index[0]
    dst = edge_index[1]
    # GATv2 block (heads=H, edge_dim=1)
    gl = (h0 @ W_l).reshape(N, H, C)                      # source transform
    gr = (h0 @ W_r).reshape(N, H, C)                      # target transform
    ef = (edge_attr @ W_e).reshape(E, H, C)               # edge feature transform
    m = gl[src] + gr[dst] + ef                            # [E, H, C] (gather)
    m = jax.nn.leaky_relu(m, negative_slope=0.2)          # GATv2: LeakyReLU before attention vector
    score = jnp.einsum('ehc,hc->eh', m, att)              # [E, H]
    # segment softmax over incoming edges per destination node
    smax = jax.ops.segment_max(score, dst, num_segments=N)   # [N, H]
    smax = jnp.where(jnp.isfinite(smax), smax, 0.0)
    ex = jnp.exp(score - smax[dst])                       # [E, H]
    denom = jax.ops.segment_sum(ex, dst, num_segments=N) + 1e-16
    alpha = ex / denom[dst]                               # [E, H]
    msg = alpha[..., None] * gl[src]                      # [E, H, C]
    h1 = jax.ops.segment_sum(msg, dst, num_segments=N).reshape(N, H * C)  # scatter-add
    h1 = jax.nn.elu(h1)
    # classifier head
    logits = h1 @ W_cls + b_cls                           # [N, NUM_IDS]
    return logits


if False:  # reference __main__ guard neutralized (emitter)
    out = reference(**setup_inputs())
    print(out.shape, out.dtype)

if __name__ == "__main__":
    import jax
    _d = setup_inputs()
    print(jax.jit(kernel)(*tuple(_d.values())))

</pallas_src>

<mosaic_0001>
#map = affine_map<(d0, d1) -> (0, 0)>
#map1 = affine_map<(d0, d1) -> (0)>
module attributes {stable_mosaic.version = 14 : i64} {
  func.func @_gather_body(%arg0: i32, %arg1: i32, %arg2: memref<10000x256xf32, #tpu.memory_space<hbm>>, %arg3: memref<10000x256xf32, #tpu.memory_space<hbm>>, %arg4: memref<160000xi32, #tpu.memory_space<hbm>>, %arg5: memref<160000xi32, #tpu.memory_space<hbm>>, %arg6: memref<160000x256xf32, #tpu.memory_space<hbm>>, %arg7: memref<160000x256xf32, #tpu.memory_space<hbm>>, %arg8: memref<40xi32, #tpu.memory_space<vmem>>, %arg9: memref<40xi32, #tpu.memory_space<vmem>>, %arg10: memref<40x256xf32, #tpu.memory_space<vmem>>, %arg11: memref<40x256xf32, #tpu.memory_space<vmem>>, %arg12: memref<!tpu.dma_semaphore, #tpu.memory_space<semaphore_mem>>, %arg13: memref<!tpu.dma_semaphore, #tpu.memory_space<semaphore_mem>>) attributes {dimension_semantics = [#tpu.dimension_semantics<core_parallel>, #tpu.dimension_semantics<subcore_parallel>], iteration_bounds = array<i64: 2, 16>, scalar_prefetch = 0 : i64, scratch_operands = 6 : i64, tpu.core_type = #tpu.core_type<sc_vector_subcore>, window_params = [{transform_indices = #map}, {transform_indices = #map}, {transform_indices = #map1}, {transform_indices = #map1}, {transform_indices = #map}, {transform_indices = #map}]} {
    %mul3A = arith.constant 2 : i32
    %mul3A_0 = arith.muli %arg1, %mul3A : i32
    %add3A = arith.addi %mul3A_0, %arg0 : i32
    %mul3A_1 = arith.constant 5000 : i32
    %mul3A_2 = arith.muli %add3A, %mul3A_1 : i32
    %scan3A = arith.constant 0 : i32
    %scan3A_3 = arith.constant 125 : i32
    %scan3A_4 = arith.addi %scan3A, %scan3A_3 : i32
    %scan3A_5 = arith.constant 1 : i32
    scf.for %scan3A_7 = %scan3A to %scan3A_4 step %scan3A_5  : i32 {
      %mul3A_8 = arith.constant 40 : i32
      %mul3A_9 = arith.muli %scan3A_7, %mul3A_8 : i32
      %add3A_10 = arith.addi %mul3A_2, %mul3A_9 : i32
      "tpu.region"() ({
        %run_scoped3A = tpu.sem_alloc : memref<!tpu.dma_semaphore, #tpu.memory_space<semaphore_mem>>
        %dma_start3A_21 = tpu.memref_slice %arg4[%add3A_10] : memref<160000xi32, #tpu.memory_space<hbm>> -> memref<40xi32, #tpu.memory_space<hbm>>
        %dma_start3A_22 = tpu.memref_slice %arg4[%add3A_10] : memref<160000xi32, #tpu.memory_space<hbm>> -> memref<40xi32, #tpu.memory_space<hbm>>
        tpu.enqueue_dma source(%dma_start3A_22 : memref<40xi32, #tpu.memory_space<hbm>>) target(%arg8 : memref<40xi32, #tpu.memory_space<vmem>>) target_semaphore(%run_scoped3A : memref<!tpu.dma_semaphore, #tpu.memory_space<semaphore_mem>>)
        %dma_wait3A_23 = tpu.memref_slice %arg4[%add3A_10] : memref<160000xi32, #tpu.memory_space<hbm>> -> memref<40xi32, #tpu.memory_space<hbm>>
        %dma_wait3A_24 = tpu.memref_slice %arg4[%add3A_10] : memref<160000xi32, #tpu.memory_space<hbm>> -> memref<40xi32, #tpu.memory_space<hbm>>
        tpu.wait_dma2 semaphore(%run_scoped3A : memref<!tpu.dma_semaphore, #tpu.memory_space<semaphore_mem>>) src(%dma_wait3A_24 : memref<40xi32, #tpu.memory_space<hbm>>) dst(%arg8 : memref<40xi32, #tpu.memory_space<vmem>>)
        tpu.yield
      }) : () -> ()
      "tpu.region"() ({
        %run_scoped3A = tpu.sem_alloc : memref<!tpu.dma_semaphore, #tpu.memory_space<semaphore_mem>>
        %dma_start3A_21 = tpu.memref_slice %arg5[%add3A_10] : memref<160000xi32, #tpu.memory_space<hbm>> -> memref<40xi32, #tpu.memory_space<hbm>>
        %dma_start3A_22 = tpu.memref_slice %arg5[%add3A_10] : memref<160000xi32, #tpu.memory_space<hbm>> -> memref<40xi32, #tpu.memory_space<hbm>>
        tpu.enqueue_dma source(%dma_start3A_22 : memref<40xi32, #tpu.memory_space<hbm>>) target(%arg9 : memref<40xi32, #tpu.memory_space<vmem>>) target_semaphore(%run_scoped3A : memref<!tpu.dma_semaphore, #tpu.memory_space<semaphore_mem>>)
        %dma_wait3A_23 = tpu.memref_slice %arg5[%add3A_10] : memref<160000xi32, #tpu.memory_space<hbm>> -> memref<40xi32, #tpu.memory_space<hbm>>
        %dma_wait3A_24 = tpu.memref_slice %arg5[%add3A_10] : memref<160000xi32, #tpu.memory_space<hbm>> -> memref<40xi32, #tpu.memory_space<hbm>>
        tpu.wait_dma2 semaphore(%run_scoped3A : memref<!tpu.dma_semaphore, #tpu.memory_space<semaphore_mem>>) src(%dma_wait3A_24 : memref<40xi32, #tpu.memory_space<hbm>>) dst(%arg9 : memref<40xi32, #tpu.memory_space<vmem>>)
        tpu.yield
      }) : () -> ()
      %dma_start3A = arith.constant 0 : i32
      %dma_start3A_11 = arith.constant 0 : i32
      %dma_start3A_12 = tpu.memref_slice %arg2[%dma_start3A, %dma_start3A_11] : memref<10000x256xf32, #tpu.memory_space<hbm>> -> memref<10000x256xf32, #tpu.memory_space<hbm>>
      tpu.enqueue_indirect_dma source(%dma_start3A_12 : memref<10000x256xf32, #tpu.memory_space<hbm>>) target(%arg10 : memref<40x256xf32, #tpu.memory_space<vmem>>) offsets(%arg8 : memref<40xi32, #tpu.memory_space<vmem>>) semaphore(%arg12 : memref<!tpu.dma_semaphore, #tpu.memory_space<semaphore_mem>>)
      %dma_start3A_13 = arith.constant 0 : i32
      %dma_start3A_14 = arith.constant 0 : i32
      %dma_start3A_15 = tpu.memref_slice %arg3[%dma_start3A_13, %dma_start3A_14] : memref<10000x256xf32, #tpu.memory_space<hbm>> -> memref<10000x256xf32, #tpu.memory_space<hbm>>
      tpu.enqueue_indirect_dma source(%dma_start3A_15 : memref<10000x256xf32, #tpu.memory_space<hbm>>) target(%arg11 : memref<40x256xf32, #tpu.memory_space<vmem>>) offsets(%arg9 : memref<40xi32, #tpu.memory_space<vmem>>) semaphore(%arg13 : memref<!tpu.dma_semaphore, #tpu.memory_space<semaphore_mem>>)
      %dma_wait3A = arith.constant 0 : i32
      %dma_wait3A_16 = arith.constant 0 : i32
      %dma_wait3A_17 = tpu.memref_slice %arg2[%dma_wait3A, %dma_wait3A_16] : memref<10000x256xf32, #tpu.memory_space<hbm>> -> memref<10000x256xf32, #tpu.memory_space<hbm>>
      tpu.wait_indirect_dma semaphore(%arg12 : memref<!tpu.dma_semaphore, #tpu.memory_space<semaphore_mem>>) src(%dma_wait3A_17 : memref<10000x256xf32, #tpu.memory_space<hbm>>) dst(%arg10 : memref<40x256xf32, #tpu.memory_space<vmem>>)
      "tpu.region"() ({
        %run_scoped3A = tpu.sem_alloc : memref<!tpu.dma_semaphore, #tpu.memory_space<semaphore_mem>>
        %dma_start3A_21 = arith.constant 0 : i32
        %dma_start3A_22 = tpu.memref_slice %arg6[%add3A_10, %dma_start3A_21] : memref<160000x256xf32, #tpu.memory_space<hbm>> -> memref<40x256xf32, #tpu.memory_space<hbm>>
        %dma_start3A_23 = arith.constant 0 : i32
        %dma_start3A_24 = tpu.memref_slice %arg6[%add3A_10, %dma_start3A_23] : memref<160000x256xf32, #tpu.memory_space<hbm>> -> memref<40x256xf32, #tpu.memory_space<hbm>>
        tpu.enqueue_dma source(%arg10 : memref<40x256xf32, #tpu.memory_space<vmem>>) target(%dma_start3A_24 : memref<40x256xf32, #tpu.memory_space<hbm>>) target_semaphore(%run_scoped3A : memref<!tpu.dma_semaphore, #tpu.memory_space<semaphore_mem>>)
        %dma_wait3A_25 = arith.constant 0 : i32
        %dma_wait3A_26 = tpu.memref_slice %arg6[%add3A_10, %dma_wait3A_25] : memref<160000x256xf32, #tpu.memory_space<hbm>> -> memref<40x256xf32, #tpu.memory_space<hbm>>
        %dma_wait3A_27 = arith.constant 0 : i32
        %dma_wait3A_28 = tpu.memref_slice %arg6[%add3A_10, %dma_wait3A_27] : memref<160000x256xf32, #tpu.memory_space<hbm>> -> memref<40x256xf32, #tpu.memory_space<hbm>>
        tpu.wait_dma2 semaphore(%run_scoped3A : memref<!tpu.dma_semaphore, #tpu.memory_space<semaphore_mem>>) src(%arg10 : memref<40x256xf32, #tpu.memory_space<vmem>>) dst(%dma_wait3A_28 : memref<40x256xf32, #tpu.memory_space<hbm>>)
        tpu.yield
      }) : () -> ()
      %dma_wait3A_18 = arith.constant 0 : i32
      %dma_wait3A_19 = arith.constant 0 : i32
      %dma_wait3A_20 = tpu.memref_slice %arg3[%dma_wait3A_18, %dma_wait3A_19] : memref<10000x256xf32, #tpu.memory_space<hbm>> -> memref<10000x256xf32, #tpu.memory_space<hbm>>
      tpu.wait_indirect_dma semaphore(%arg13 : memref<!tpu.dma_semaphore, #tpu.memory_space<semaphore_mem>>) src(%dma_wait3A_20 : memref<10000x256xf32, #tpu.memory_space<hbm>>) dst(%arg11 : memref<40x256xf32, #tpu.memory_space<vmem>>)
      "tpu.region"() ({
        %run_scoped3A = tpu.sem_alloc : memref<!tpu.dma_semaphore, #tpu.memory_space<semaphore_mem>>
        %dma_start3A_21 = arith.constant 0 : i32
        %dma_start3A_22 = tpu.memref_slice %arg7[%add3A_10, %dma_start3A_21] : memref<160000x256xf32, #tpu.memory_space<hbm>> -> memref<40x256xf32, #tpu.memory_space<hbm>>
        %dma_start3A_23 = arith.constant 0 : i32
        %dma_start3A_24 = tpu.memref_slice %arg7[%add3A_10, %dma_start3A_23] : memref<160000x256xf32, #tpu.memory_space<hbm>> -> memref<40x256xf32, #tpu.memory_space<hbm>>
        tpu.enqueue_dma source(%arg11 : memref<40x256xf32, #tpu.memory_space<vmem>>) target(%dma_start3A_24 : memref<40x256xf32, #tpu.memory_space<hbm>>) target_semaphore(%run_scoped3A : memref<!tpu.dma_semaphore, #tpu.memory_space<semaphore_mem>>)
        %dma_wait3A_25 = arith.constant 0 : i32
        %dma_wait3A_26 = tpu.memref_slice %arg7[%add3A_10, %dma_wait3A_25] : memref<160000x256xf32, #tpu.memory_space<hbm>> -> memref<40x256xf32, #tpu.memory_space<hbm>>
        %dma_wait3A_27 = arith.constant 0 : i32
        %dma_wait3A_28 = tpu.memref_slice %arg7[%add3A_10, %dma_wait3A_27] : memref<160000x256xf32, #tpu.memory_space<hbm>> -> memref<40x256xf32, #tpu.memory_space<hbm>>
        tpu.wait_dma2 semaphore(%run_scoped3A : memref<!tpu.dma_semaphore, #tpu.memory_space<semaphore_mem>>) src(%arg11 : memref<40x256xf32, #tpu.memory_space<vmem>>) dst(%dma_wait3A_28 : memref<40x256xf32, #tpu.memory_space<hbm>>)
        tpu.yield
      }) : () -> ()
    }
    %scan3A_6 = arith.constant 125 : i32
    return
  }
}

#map = affine_map<(d0, d1) -> (0, 0)>
#map1 = affine_map<(d0, d1) -> (0)>
module attributes {stable_mosaic.version = 14 : i64} {
  func.func @_scat_den_body(%arg0: i32, %arg1: i32, %arg2: memref<160000x128xf32, #tpu.memory_space<hbm>>, %arg3: memref<160000xi32, #tpu.memory_space<hbm>>, %arg4: memref<40x128xf32, #tpu.memory_space<hbm>>, %arg5: memref<10000x128xf32, #tpu.memory_space<hbm>>, %arg6: memref<10000x128xf32, #tpu.memory_space<hbm>>, %arg7: memref<40xi32, #tpu.memory_space<vmem>>, %arg8: memref<40x128xf32, #tpu.memory_space<vmem>>, %arg9: memref<10000x128xf32, #tpu.memory_space<vmem_shared>>) attributes {dimension_semantics = [#tpu.dimension_semantics<core_parallel>, #tpu.dimension_semantics<subcore_parallel>], iteration_bounds = array<i64: 2, 16>, scalar_prefetch = 0 : i64, scratch_operands = 3 : i64, tpu.core_type = #tpu.core_type<sc_vector_subcore>, window_params = [{transform_indices = #map}, {transform_indices = #map1}, {transform_indices = #map}, {transform_indices = #map}, {transform_indices = #map}]} {
    %lt3A = arith.constant 10 : i32
    %lt3A_0 = arith.cmpi slt, %arg1, %lt3A : i32
    %convert_element_type3A = arith.extui %lt3A_0 : i1 to i32
    %cond3A = arith.constant 0 : i32
    %cond3A_1 = arith.cmpi ne, %convert_element_type3A, %cond3A : i32
    scf.if %cond3A_1 {
      "tpu.region"() ({
        %run_scoped3A = tpu.sem_alloc : memref<!tpu.dma_semaphore, #tpu.memory_space<semaphore_mem>>
        tpu.enqueue_dma source(%arg4 : memref<40x128xf32, #tpu.memory_space<hbm>>) target(%arg8 : memref<40x128xf32, #tpu.memory_space<vmem>>) target_semaphore(%run_scoped3A : memref<!tpu.dma_semaphore, #tpu.memory_space<semaphore_mem>>)
        tpu.wait_dma2 semaphore(%run_scoped3A : memref<!tpu.dma_semaphore, #tpu.memory_space<semaphore_mem>>) src(%arg4 : memref<40x128xf32, #tpu.memory_space<hbm>>) dst(%arg8 : memref<40x128xf32, #tpu.memory_space<vmem>>)
        tpu.yield
      }) : () -> ()
      %scan3A_12 = arith.constant 0 : i32
      %scan3A_13 = arith.constant 25 : i32
      %scan3A_14 = arith.addi %scan3A_12, %scan3A_13 : i32
      %scan3A_15 = arith.constant 1 : i32
      scf.for %scan3A_17 = %scan3A_12 to %scan3A_14 step %scan3A_15  : i32 {
        %mul3A = arith.constant 1000 : i32
        %mul3A_18 = arith.muli %arg1, %mul3A : i32
        %mul3A_19 = arith.constant 40 : i32
        %mul3A_20 = arith.muli %scan3A_17, %mul3A_19 : i32
        %add3A = arith.addi %mul3A_18, %mul3A_20 : i32
        "tpu.region"() ({
          %run_scoped3A = tpu.sem_alloc : memref<!tpu.dma_semaphore, #tpu.memory_space<semaphore_mem>>
          %dma_start3A = arith.constant 0 : i32
          %dma_start3A_21 = tpu.memref_slice %arg9[%add3A, %dma_start3A] : memref<10000x128xf32, #tpu.memory_space<vmem_shared>> -> memref<40x128xf32, #tpu.memory_space<vmem_shared>>
          %dma_start3A_22 = arith.constant 0 : i32
          %dma_start3A_23 = tpu.memref_slice %arg9[%add3A, %dma_start3A_22] : memref<10000x128xf32, #tpu.memory_space<vmem_shared>> -> memref<40x128xf32, #tpu.memory_space<vmem_shared>>
          tpu.enqueue_dma source(%arg8 : memref<40x128xf32, #tpu.memory_space<vmem>>) target(%dma_start3A_23 : memref<40x128xf32, #tpu.memory_space<vmem_shared>>) target_semaphore(%run_scoped3A : memref<!tpu.dma_semaphore, #tpu.memory_space<semaphore_mem>>)
          %dma_wait3A = arith.constant 0 : i32
          %dma_wait3A_24 = tpu.memref_slice %arg9[%add3A, %dma_wait3A] : memref<10000x128xf32, #tpu.memory_space<vmem_shared>> -> memref<40x128xf32, #tpu.memory_space<vmem_shared>>
          %dma_wait3A_25 = arith.constant 0 : i32
          %dma_wait3A_26 = tpu.memref_slice %arg9[%add3A, %dma_wait3A_25] : memref<10000x128xf32, #tpu.memory_space<vmem_shared>> -> memref<40x128xf32, #tpu.memory_space<vmem_shared>>
          tpu.wait_dma2 semaphore(%run_scoped3A : memref<!tpu.dma_semaphore, #tpu.memory_space<semaphore_mem>>) src(%arg8 : memref<40x128xf32, #tpu.memory_space<vmem>>) dst(%dma_wait3A_26 : memref<40x128xf32, #tpu.memory_space<vmem_shared>>)
          tpu.yield
        }) : () -> ()
      }
      %scan3A_16 = arith.constant 25 : i32
    } else {
    }
    %barrier3A = arith.constant 0 : index
    tpu.barrier barrier_id(%barrier3A)
    %scan3A = arith.constant 0 : i32
    %scan3A_2 = arith.constant 125 : i32
    %scan3A_3 = arith.addi %scan3A, %scan3A_2 : i32
    %scan3A_4 = arith.constant 1 : i32
    scf.for %scan3A_12 = %scan3A to %scan3A_3 step %scan3A_4  : i32 {
      %mul3A = arith.constant 80000 : i32
      %mul3A_13 = arith.muli %arg0, %mul3A : i32
      %mul3A_14 = arith.constant 5000 : i32
      %mul3A_15 = arith.muli %arg1, %mul3A_14 : i32
      %add3A = arith.addi %mul3A_13, %mul3A_15 : i32
      %mul3A_16 = arith.constant 40 : i32
      %mul3A_17 = arith.muli %scan3A_12, %mul3A_16 : i32
      %add3A_18 = arith.addi %add3A, %mul3A_17 : i32
      "tpu.region"() ({
        %run_scoped3A = tpu.sem_alloc : memref<!tpu.dma_semaphore, #tpu.memory_space<semaphore_mem>>
        %dma_start3A = tpu.memref_slice %arg3[%add3A_18] : memref<160000xi32, #tpu.memory_space<hbm>> -> memref<40xi32, #tpu.memory_space<hbm>>
        %dma_start3A_19 = tpu.memref_slice %arg3[%add3A_18] : memref<160000xi32, #tpu.memory_space<hbm>> -> memref<40xi32, #tpu.memory_space<hbm>>
        tpu.enqueue_dma source(%dma_start3A_19 : memref<40xi32, #tpu.memory_space<hbm>>) target(%arg7 : memref<40xi32, #tpu.memory_space<vmem>>) target_semaphore(%run_scoped3A : memref<!tpu.dma_semaphore, #tpu.memory_space<semaphore_mem>>)
        %dma_wait3A = tpu.memref_slice %arg3[%add3A_18] : memref<160000xi32, #tpu.memory_space<hbm>> -> memref<40xi32, #tpu.memory_space<hbm>>
        %dma_wait3A_20 = tpu.memref_slice %arg3[%add3A_18] : memref<160000xi32, #tpu.memory_space<hbm>> -> memref<40xi32, #tpu.memory_space<hbm>>
        tpu.wait_dma2 semaphore(%run_scoped3A : memref<!tpu.dma_semaphore, #tpu.memory_space<semaphore_mem>>) src(%dma_wait3A_20 : memref<40xi32, #tpu.memory_space<hbm>>) dst(%arg7 : memref<40xi32, #tpu.memory_space<vmem>>)
        tpu.yield
      }) : () -> ()
      "tpu.region"() ({
        %run_scoped3A = tpu.sem_alloc : memref<!tpu.dma_semaphore, #tpu.memory_space<semaphore_mem>>
        %dma_start3A = arith.constant 0 : i32
        %dma_start3A_19 = tpu.memref_slice %arg2[%add3A_18, %dma_start3A] : memref<160000x128xf32, #tpu.memory_space<hbm>> -> memref<40x128xf32, #tpu.memory_space<hbm>>
        %dma_start3A_20 = arith.constant 0 : i32
        %dma_start3A_21 = tpu.memref_slice %arg2[%add3A_18, %dma_start3A_20] : memref<160000x128xf32, #tpu.memory_space<hbm>> -> memref<40x128xf32, #tpu.memory_space<hbm>>
        tpu.enqueue_dma source(%dma_start3A_21 : memref<40x128xf32, #tpu.memory_space<hbm>>) target(%arg8 : memref<40x128xf32, #tpu.memory_space<vmem>>) target_semaphore(%run_scoped3A : memref<!tpu.dma_semaphore, #tpu.memory_space<semaphore_mem>>)
        %dma_wait3A = arith.constant 0 : i32
        %dma_wait3A_22 = tpu.memref_slice %arg2[%add3A_18, %dma_wait3A] : memref<160000x128xf32, #tpu.memory_space<hbm>> -> memref<40x128xf32, #tpu.memory_space<hbm>>
        %dma_wait3A_23 = arith.constant 0 : i32
        %dma_wait3A_24 = tpu.memref_slice %arg2[%add3A_18, %dma_wait3A_23] : memref<160000x128xf32, #tpu.memory_space<hbm>> -> memref<40x128xf32, #tpu.memory_space<hbm>>
        tpu.wait_dma2 semaphore(%run_scoped3A : memref<!tpu.dma_semaphore, #tpu.memory_space<semaphore_mem>>) src(%dma_wait3A_24 : memref<40x128xf32, #tpu.memory_space<hbm>>) dst(%arg8 : memref<40x128xf32, #tpu.memory_space<vmem>>)
        tpu.yield
      }) : () -> ()
      "tpu.region"() ({
        %run_scoped3A = tpu.sem_alloc : memref<!tpu.dma_semaphore, #tpu.memory_space<semaphore_mem>>
        %dma_start3A = arith.constant 0 : i32
        %dma_start3A_19 = arith.constant 0 : i32
        %dma_start3A_20 = tpu.memref_slice %arg9[%dma_start3A, %dma_start3A_19] : memref<10000x128xf32, #tpu.memory_space<vmem_shared>> -> memref<10000x128xf32, #tpu.memory_space<vmem_shared>>
        tpu.enqueue_indirect_dma source(%arg8 : memref<40x128xf32, #tpu.memory_space<vmem>>) target(%dma_start3A_20 : memref<10000x128xf32, #tpu.memory_space<vmem_shared>>) offsets(%arg7 : memref<40xi32, #tpu.memory_space<vmem>>) semaphore(%run_scoped3A : memref<!tpu.dma_semaphore, #tpu.memory_space<semaphore_mem>>) {add = true}
        %dma_wait3A = arith.constant 0 : i32
        %dma_wait3A_21 = arith.constant 0 : i32
        %dma_wait3A_22 = tpu.memref_slice %arg9[%dma_wait3A, %dma_wait3A_21] : memref<10000x128xf32, #tpu.memory_space<vmem_shared>> -> memref<10000x128xf32, #tpu.memory_space<vmem_shared>>
        tpu.wait_indirect_dma semaphore(%run_scoped3A : memref<!tpu.dma_semaphore, #tpu.memory_space<semaphore_mem>>) src(%arg8 : memref<40x128xf32, #tpu.memory_space<vmem>>) dst(%dma_wait3A_22 : memref<10000x128xf32, #tpu.memory_space<vmem_shared>>)
        tpu.yield
      }) : () -> ()
    }
    %scan3A_5 = arith.constant 125 : i32
    %barrier3A_6 = arith.constant 0 : index
    tpu.barrier barrier_id(%barrier3A_6)
    %lt3A_7 = arith.constant 10 : i32
    %lt3A_8 = arith.cmpi slt, %arg1, %lt3A_7 : i32
    %convert_element_type3A_9 = arith.extui %lt3A_8 : i1 to i32
    %cond3A_10 = arith.constant 0 : i32
    %cond3A_11 = arith.cmpi ne, %convert_element_type3A_9, %cond3A_10 : i32
    scf.if %cond3A_11 {
      %scan3A_12 = arith.constant 0 : i32
      %scan3A_13 = arith.constant 25 : i32
      %scan3A_14 = arith.addi %scan3A_12, %scan3A_13 : i32
      %scan3A_15 = arith.constant 1 : i32
      scf.for %scan3A_17 = %scan3A_12 to %scan3A_14 step %scan3A_15  : i32 {
        %mul3A = arith.constant 1000 : i32
        %mul3A_18 = arith.muli %arg1, %mul3A : i32
        %mul3A_19 = arith.constant 40 : i32
        %mul3A_20 = arith.muli %scan3A_17, %mul3A_19 : i32
        %add3A = arith.addi %mul3A_18, %mul3A_20 : i32
        "tpu.region"() ({
          %run_scoped3A = tpu.sem_alloc : memref<!tpu.dma_semaphore, #tpu.memory_space<semaphore_mem>>
          %dma_start3A = arith.constant 0 : i32
          %dma_start3A_30 = tpu.memref_slice %arg9[%add3A, %dma_start3A] : memref<10000x128xf32, #tpu.memory_space<vmem_shared>> -> memref<40x128xf32, #tpu.memory_space<vmem_shared>>
          %dma_start3A_31 = arith.constant 0 : i32
          %dma_start3A_32 = tpu.memref_slice %arg9[%add3A, %dma_start3A_31] : memref<10000x128xf32, #tpu.memory_space<vmem_shared>> -> memref<40x128xf32, #tpu.memory_space<vmem_shared>>
          tpu.enqueue_dma source(%dma_start3A_32 : memref<40x128xf32, #tpu.memory_space<vmem_shared>>) target(%arg8 : memref<40x128xf32, #tpu.memory_space<vmem>>) target_semaphore(%run_scoped3A : memref<!tpu.dma_semaphore, #tpu.memory_space<semaphore_mem>>)
          %dma_wait3A = arith.constant 0 : i32
          %dma_wait3A_33 = tpu.memref_slice %arg9[%add3A, %dma_wait3A] : memref<10000x128xf32, #tpu.memory_space<vmem_shared>> -> memref<40x128xf32, #tpu.memory_space<vmem_shared>>
          %dma_wait3A_34 = arith.constant 0 : i32
          %dma_wait3A_35 = tpu.memref_slice %arg9[%add3A, %dma_wait3A_34] : memref<10000x128xf32, #tpu.memory_space<vmem_shared>> -> memref<40x128xf32, #tpu.memory_space<vmem_shared>>
          tpu.wait_dma2 semaphore(%run_scoped3A : memref<!tpu.dma_semaphore, #tpu.memory_space<semaphore_mem>>) src(%dma_wait3A_35 : memref<40x128xf32, #tpu.memory_space<vmem_shared>>) dst(%arg8 : memref<40x128xf32, #tpu.memory_space<vmem>>)
          tpu.yield
        }) : () -> ()
        %eq3A = arith.constant 0 : i32
        %eq3A_21 = arith.cmpi eq, %arg0, %eq3A : i32
        %convert_element_type3A_22 = arith.extui %eq3A_21 : i1 to i32
        %cond3A_23 = arith.constant 0 : i32
        %cond3A_24 = arith.cmpi ne, %convert_element_type3A_22, %cond3A_23 : i32
        scf.if %cond3A_24 {
          "tpu.region"() ({
            %run_scoped3A = tpu.sem_alloc : memref<!tpu.dma_semaphore, #tpu.memory_space<semaphore_mem>>
            %dma_start3A = arith.constant 0 : i32
            %dma_start3A_30 = tpu.memref_slice %arg5[%add3A, %dma_start3A] : memref<10000x128xf32, #tpu.memory_space<hbm>> -> memref<40x128xf32, #tpu.memory_space<hbm>>
            %dma_start3A_31 = arith.constant 0 : i32
            %dma_start3A_32 = tpu.memref_slice %arg5[%add3A, %dma_start3A_31] : memref<10000x128xf32, #tpu.memory_space<hbm>> -> memref<40x128xf32, #tpu.memory_space<hbm>>
            tpu.enqueue_dma source(%arg8 : memref<40x128xf32, #tpu.memory_space<vmem>>) target(%dma_start3A_32 : memref<40x128xf32, #tpu.memory_space<hbm>>) target_semaphore(%run_scoped3A : memref<!tpu.dma_semaphore, #tpu.memory_space<semaphore_mem>>)
            %dma_wait3A = arith.constant 0 : i32
            %dma_wait3A_33 = tpu.memref_slice %arg5[%add3A, %dma_wait3A] : memref<10000x128xf32, #tpu.memory_space<hbm>> -> memref<40x128xf32, #tpu.memory_space<hbm>>
            %dma_wait3A_34 = arith.constant 0 : i32
            %dma_wait3A_35 = tpu.memref_slice %arg5[%add3A, %dma_wait3A_34] : memref<10000x128xf32, #tpu.memory_space<hbm>> -> memref<40x128xf32, #tpu.memory_space<hbm>>
            tpu.wait_dma2 semaphore(%run_scoped3A : memref<!tpu.dma_semaphore, #tpu.memory_space<semaphore_mem>>) src(%arg8 : memref<40x128xf32, #tpu.memory_space<vmem>>) dst(%dma_wait3A_35 : memref<40x128xf32, #tpu.memory_space<hbm>>)
            tpu.yield
          }) : () -> ()
        } else {
        }
        %eq3A_25 = arith.constant 1 : i32
        %eq3A_26 = arith.cmpi eq, %arg0, %eq3A_25 : i32
        %convert_element_type3A_27 = arith.extui %eq3A_26 : i1 to i32
        %cond3A_28 = arith.constant 0 : i32
        %cond3A_29 = arith.cmpi ne, %convert_element_type3A_27, %cond3A_28 : i32
        scf.if %cond3A_29 {
          "tpu.region"() ({
            %run_scoped3A = tpu.sem_alloc : memref<!tpu.dma_semaphore, #tpu.memory_space<semaphore_mem>>
            %dma_start3A = arith.constant 0 : i32
            %dma_start3A_30 = tpu.memref_slice %arg6[%add3A, %dma_start3A] : memref<10000x128xf32, #tpu.memory_space<hbm>> -> memref<40x128xf32, #tpu.memory_space<hbm>>
            %dma_start3A_31 = arith.constant 0 : i32
            %dma_start3A_32 = tpu.memref_slice %arg6[%add3A, %dma_start3A_31] : memref<10000x128xf32, #tpu.memory_space<hbm>> -> memref<40x128xf32, #tpu.memory_space<hbm>>
            tpu.enqueue_dma source(%arg8 : memref<40x128xf32, #tpu.memory_space<vmem>>) target(%dma_start3A_32 : memref<40x128xf32, #tpu.memory_space<hbm>>) target_semaphore(%run_scoped3A : memref<!tpu.dma_semaphore, #tpu.memory_space<semaphore_mem>>)
            %dma_wait3A = arith.constant 0 : i32
            %dma_wait3A_33 = tpu.memref_slice %arg6[%add3A, %dma_wait3A] : memref<10000x128xf32, #tpu.memory_space<hbm>> -> memref<40x128xf32, #tpu.memory_space<hbm>>
            %dma_wait3A_34 = arith.constant 0 : i32
            %dma_wait3A_35 = tpu.memref_slice %arg6[%add3A, %dma_wait3A_34] : memref<10000x128xf32, #tpu.memory_space<hbm>> -> memref<40x128xf32, #tpu.memory_space<hbm>>
            tpu.wait_dma2 semaphore(%run_scoped3A : memref<!tpu.dma_semaphore, #tpu.memory_space<semaphore_mem>>) src(%arg8 : memref<40x128xf32, #tpu.memory_space<vmem>>) dst(%dma_wait3A_35 : memref<40x128xf32, #tpu.memory_space<hbm>>)
            tpu.yield
          }) : () -> ()
        } else {
        }
      }
      %scan3A_16 = arith.constant 25 : i32
    } else {
    }
    return
  }
}

#map = affine_map<(d0, d1) -> (0, 0)>
#map1 = affine_map<(d0, d1) -> (0)>
module attributes {stable_mosaic.version = 14 : i64} {
  func.func @_scat_num_body(%arg0: i32, %arg1: i32, %arg2: memref<160000x128xf32, #tpu.memory_space<hbm>>, %arg3: memref<160000x128xf32, #tpu.memory_space<hbm>>, %arg4: memref<160000xi32, #tpu.memory_space<hbm>>, %arg5: memref<40x128xf32, #tpu.memory_space<hbm>>, %arg6: memref<10000x128xf32, #tpu.memory_space<hbm>>, %arg7: memref<10000x128xf32, #tpu.memory_space<hbm>>, %arg8: memref<40xi32, #tpu.memory_space<vmem>>, %arg9: memref<40x128xf32, #tpu.memory_space<vmem>>, %arg10: memref<10000x128xf32, #tpu.memory_space<vmem_shared>>) attributes {dimension_semantics = [#tpu.dimension_semantics<core_parallel>, #tpu.dimension_semantics<subcore_parallel>], iteration_bounds = array<i64: 2, 16>, scalar_prefetch = 0 : i64, scratch_operands = 3 : i64, tpu.core_type = #tpu.core_type<sc_vector_subcore>, window_params = [{transform_indices = #map}, {transform_indices = #map}, {transform_indices = #map1}, {transform_indices = #map}, {transform_indices = #map}, {transform_indices = #map}]} {
    %lt3A = arith.constant 10 : i32
    %lt3A_0 = arith.cmpi slt, %arg1, %lt3A : i32
    %convert_element_type3A = arith.extui %lt3A_0 : i1 to i32
    %cond3A = arith.constant 0 : i32
    %cond3A_1 = arith.cmpi ne, %convert_element_type3A, %cond3A : i32
    scf.if %cond3A_1 {
      "tpu.region"() ({
        %run_scoped3A = tpu.sem_alloc : memref<!tpu.dma_semaphore, #tpu.memory_space<semaphore_mem>>
        tpu.enqueue_dma source(%arg5 : memref<40x128xf32, #tpu.memory_space<hbm>>) target(%arg9 : memref<40x128xf32, #tpu.memory_space<vmem>>) target_semaphore(%run_scoped3A : memref<!tpu.dma_semaphore, #tpu.memory_space<semaphore_mem>>)
        tpu.wait_dma2 semaphore(%run_scoped3A : memref<!tpu.dma_semaphore, #tpu.memory_space<semaphore_mem>>) src(%arg5 : memref<40x128xf32, #tpu.memory_space<hbm>>) dst(%arg9 : memref<40x128xf32, #tpu.memory_space<vmem>>)
        tpu.yield
      }) : () -> ()
      %scan3A_12 = arith.constant 0 : i32
      %scan3A_13 = arith.constant 25 : i32
      %scan3A_14 = arith.addi %scan3A_12, %scan3A_13 : i32
      %scan3A_15 = arith.constant 1 : i32
      scf.for %scan3A_17 = %scan3A_12 to %scan3A_14 step %scan3A_15  : i32 {
        %mul3A = arith.constant 1000 : i32
        %mul3A_18 = arith.muli %arg1, %mul3A : i32
        %mul3A_19 = arith.constant 40 : i32
        %mul3A_20 = arith.muli %scan3A_17, %mul3A_19 : i32
        %add3A = arith.addi %mul3A_18, %mul3A_20 : i32
        "tpu.region"() ({
          %run_scoped3A = tpu.sem_alloc : memref<!tpu.dma_semaphore, #tpu.memory_space<semaphore_mem>>
          %dma_start3A = arith.constant 0 : i32
          %dma_start3A_21 = tpu.memref_slice %arg10[%add3A, %dma_start3A] : memref<10000x128xf32, #tpu.memory_space<vmem_shared>> -> memref<40x128xf32, #tpu.memory_space<vmem_shared>>
          %dma_start3A_22 = arith.constant 0 : i32
          %dma_start3A_23 = tpu.memref_slice %arg10[%add3A, %dma_start3A_22] : memref<10000x128xf32, #tpu.memory_space<vmem_shared>> -> memref<40x128xf32, #tpu.memory_space<vmem_shared>>
          tpu.enqueue_dma source(%arg9 : memref<40x128xf32, #tpu.memory_space<vmem>>) target(%dma_start3A_23 : memref<40x128xf32, #tpu.memory_space<vmem_shared>>) target_semaphore(%run_scoped3A : memref<!tpu.dma_semaphore, #tpu.memory_space<semaphore_mem>>)
          %dma_wait3A = arith.constant 0 : i32
          %dma_wait3A_24 = tpu.memref_slice %arg10[%add3A, %dma_wait3A] : memref<10000x128xf32, #tpu.memory_space<vmem_shared>> -> memref<40x128xf32, #tpu.memory_space<vmem_shared>>
          %dma_wait3A_25 = arith.constant 0 : i32
          %dma_wait3A_26 = tpu.memref_slice %arg10[%add3A, %dma_wait3A_25] : memref<10000x128xf32, #tpu.memory_space<vmem_shared>> -> memref<40x128xf32, #tpu.memory_space<vmem_shared>>
          tpu.wait_dma2 semaphore(%run_scoped3A : memref<!tpu.dma_semaphore, #tpu.memory_space<semaphore_mem>>) src(%arg9 : memref<40x128xf32, #tpu.memory_space<vmem>>) dst(%dma_wait3A_26 : memref<40x128xf32, #tpu.memory_space<vmem_shared>>)
          tpu.yield
        }) : () -> ()
      }
      %scan3A_16 = arith.constant 25 : i32
    } else {
    }
    %barrier3A = arith.constant 0 : index
    tpu.barrier barrier_id(%barrier3A)
    %scan3A = arith.constant 0 : i32
    %scan3A_2 = arith.constant 250 : i32
    %scan3A_3 = arith.addi %scan3A, %scan3A_2 : i32
    %scan3A_4 = arith.constant 1 : i32
    scf.for %scan3A_12 = %scan3A to %scan3A_3 step %scan3A_4  : i32 {
      %mul3A = arith.constant 10000 : i32
      %mul3A_13 = arith.muli %arg1, %mul3A : i32
      %mul3A_14 = arith.constant 40 : i32
      %mul3A_15 = arith.muli %scan3A_12, %mul3A_14 : i32
      %add3A = arith.addi %mul3A_13, %mul3A_15 : i32
      "tpu.region"() ({
        %run_scoped3A = tpu.sem_alloc : memref<!tpu.dma_semaphore, #tpu.memory_space<semaphore_mem>>
        %dma_start3A = tpu.memref_slice %arg4[%add3A] : memref<160000xi32, #tpu.memory_space<hbm>> -> memref<40xi32, #tpu.memory_space<hbm>>
        %dma_start3A_25 = tpu.memref_slice %arg4[%add3A] : memref<160000xi32, #tpu.memory_space<hbm>> -> memref<40xi32, #tpu.memory_space<hbm>>
        tpu.enqueue_dma source(%dma_start3A_25 : memref<40xi32, #tpu.memory_space<hbm>>) target(%arg8 : memref<40xi32, #tpu.memory_space<vmem>>) target_semaphore(%run_scoped3A : memref<!tpu.dma_semaphore, #tpu.memory_space<semaphore_mem>>)
        %dma_wait3A = tpu.memref_slice %arg4[%add3A] : memref<160000xi32, #tpu.memory_space<hbm>> -> memref<40xi32, #tpu.memory_space<hbm>>
        %dma_wait3A_26 = tpu.memref_slice %arg4[%add3A] : memref<160000xi32, #tpu.memory_space<hbm>> -> memref<40xi32, #tpu.memory_space<hbm>>
        tpu.wait_dma2 semaphore(%run_scoped3A : memref<!tpu.dma_semaphore, #tpu.memory_space<semaphore_mem>>) src(%dma_wait3A_26 : memref<40xi32, #tpu.memory_space<hbm>>) dst(%arg8 : memref<40xi32, #tpu.memory_space<vmem>>)
        tpu.yield
      }) : () -> ()
      %eq3A = arith.constant 0 : i32
      %eq3A_16 = arith.cmpi eq, %arg0, %eq3A : i32
      %convert_element_type3A_17 = arith.extui %eq3A_16 : i1 to i32
      %cond3A_18 = arith.constant 0 : i32
      %cond3A_19 = arith.cmpi ne, %convert_element_type3A_17, %cond3A_18 : i32
      scf.if %cond3A_19 {
        "tpu.region"() ({
          %run_scoped3A = tpu.sem_alloc : memref<!tpu.dma_semaphore, #tpu.memory_space<semaphore_mem>>
          %dma_start3A = arith.constant 0 : i32
          %dma_start3A_25 = tpu.memref_slice %arg2[%add3A, %dma_start3A] : memref<160000x128xf32, #tpu.memory_space<hbm>> -> memref<40x128xf32, #tpu.memory_space<hbm>>
          %dma_start3A_26 = arith.constant 0 : i32
          %dma_start3A_27 = tpu.memref_slice %arg2[%add3A, %dma_start3A_26] : memref<160000x128xf32, #tpu.memory_space<hbm>> -> memref<40x128xf32, #tpu.memory_space<hbm>>
          tpu.enqueue_dma source(%dma_start3A_27 : memref<40x128xf32, #tpu.memory_space<hbm>>) target(%arg9 : memref<40x128xf32, #tpu.memory_space<vmem>>) target_semaphore(%run_scoped3A : memref<!tpu.dma_semaphore, #tpu.memory_space<semaphore_mem>>)
          %dma_wait3A = arith.constant 0 : i32
          %dma_wait3A_28 = tpu.memref_slice %arg2[%add3A, %dma_wait3A] : memref<160000x128xf32, #tpu.memory_space<hbm>> -> memref<40x128xf32, #tpu.memory_space<hbm>>
          %dma_wait3A_29 = arith.constant 0 : i32
          %dma_wait3A_30 = tpu.memref_slice %arg2[%add3A, %dma_wait3A_29] : memref<160000x128xf32, #tpu.memory_space<hbm>> -> memref<40x128xf32, #tpu.memory_space<hbm>>
          tpu.wait_dma2 semaphore(%run_scoped3A : memref<!tpu.dma_semaphore, #tpu.memory_space<semaphore_mem>>) src(%dma_wait3A_30 : memref<40x128xf32, #tpu.memory_space<hbm>>) dst(%arg9 : memref<40x128xf32, #tpu.memory_space<vmem>>)
          tpu.yield
        }) : () -> ()
      } else {
      }
      %eq3A_20 = arith.constant 1 : i32
      %eq3A_21 = arith.cmpi eq, %arg0, %eq3A_20 : i32
      %convert_element_type3A_22 = arith.extui %eq3A_21 : i1 to i32
      %cond3A_23 = arith.constant 0 : i32
      %cond3A_24 = arith.cmpi ne, %convert_element_type3A_22, %cond3A_23 : i32
      scf.if %cond3A_24 {
        "tpu.region"() ({
          %run_scoped3A = tpu.sem_alloc : memref<!tpu.dma_semaphore, #tpu.memory_space<semaphore_mem>>
          %dma_start3A = arith.constant 0 : i32
          %dma_start3A_25 = tpu.memref_slice %arg3[%add3A, %dma_start3A] : memref<160000x128xf32, #tpu.memory_space<hbm>> -> memref<40x128xf32, #tpu.memory_space<hbm>>
          %dma_start3A_26 = arith.constant 0 : i32
          %dma_start3A_27 = tpu.memref_slice %arg3[%add3A, %dma_start3A_26] : memref<160000x128xf32, #tpu.memory_space<hbm>> -> memref<40x128xf32, #tpu.memory_space<hbm>>
          tpu.enqueue_dma source(%dma_start3A_27 : memref<40x128xf32, #tpu.memory_space<hbm>>) target(%arg9 : memref<40x128xf32, #tpu.memory_space<vmem>>) target_semaphore(%run_scoped3A : memref<!tpu.dma_semaphore, #tpu.memory_space<semaphore_mem>>)
          %dma_wait3A = arith.constant 0 : i32
          %dma_wait3A_28 = tpu.memref_slice %arg3[%add3A, %dma_wait3A] : memref<160000x128xf32, #tpu.memory_space<hbm>> -> memref<40x128xf32, #tpu.memory_space<hbm>>
          %dma_wait3A_29 = arith.constant 0 : i32
          %dma_wait3A_30 = tpu.memref_slice %arg3[%add3A, %dma_wait3A_29] : memref<160000x128xf32, #tpu.memory_space<hbm>> -> memref<40x128xf32, #tpu.memory_space<hbm>>
          tpu.wait_dma2 semaphore(%run_scoped3A : memref<!tpu.dma_semaphore, #tpu.memory_space<semaphore_mem>>) src(%dma_wait3A_30 : memref<40x128xf32, #tpu.memory_space<hbm>>) dst(%arg9 : memref<40x128xf32, #tpu.memory_space<vmem>>)
          tpu.yield
        }) : () -> ()
      } else {
      }
      "tpu.region"() ({
        %run_scoped3A = tpu.sem_alloc : memref<!tpu.dma_semaphore, #tpu.memory_space<semaphore_mem>>
        %dma_start3A = arith.constant 0 : i32
        %dma_start3A_25 = arith.constant 0 : i32
        %dma_start3A_26 = tpu.memref_slice %arg10[%dma_start3A, %dma_start3A_25] : memref<10000x128xf32, #tpu.memory_space<vmem_shared>> -> memref<10000x128xf32, #tpu.memory_space<vmem_shared>>
        tpu.enqueue_indirect_dma source(%arg9 : memref<40x128xf32, #tpu.memory_space<vmem>>) target(%dma_start3A_26 : memref<10000x128xf32, #tpu.memory_space<vmem_shared>>) offsets(%arg8 : memref<40xi32, #tpu.memory_space<vmem>>) semaphore(%run_scoped3A : memref<!tpu.dma_semaphore, #tpu.memory_space<semaphore_mem>>) {add = true}
        %dma_wait3A = arith.constant 0 : i32
        %dma_wait3A_27 = arith.constant 0 : i32
        %dma_wait3A_28 = tpu.memref_slice %arg10[%dma_wait3A, %dma_wait3A_27] : memref<10000x128xf32, #tpu.memory_space<vmem_shared>> -> memref<10000x128xf32, #tpu.memory_space<vmem_shared>>
        tpu.wait_indirect_dma semaphore(%run_scoped3A : memref<!tpu.dma_semaphore, #tpu.memory_space<semaphore_mem>>) src(%arg9 : memref<40x128xf32, #tpu.memory_space<vmem>>) dst(%dma_wait3A_28 : memref<10000x128xf32, #tpu.memory_space<vmem_shared>>)
        tpu.yield
      }) : () -> ()
    }
    %scan3A_5 = arith.constant 250 : i32
    %barrier3A_6 = arith.constant 0 : index
    tpu.barrier barrier_id(%barrier3A_6)
    %lt3A_7 = arith.constant 10 : i32
    %lt3A_8 = arith.cmpi slt, %arg1, %lt3A_7 : i32
    %convert_element_type3A_9 = arith.extui %lt3A_8 : i1 to i32
    %cond3A_10 = arith.constant 0 : i32
    %cond3A_11 = arith.cmpi ne, %convert_element_type3A_9, %cond3A_10 : i32
    scf.if %cond3A_11 {
      %scan3A_12 = arith.constant 0 : i32
      %scan3A_13 = arith.constant 25 : i32
      %scan3A_14 = arith.addi %scan3A_12, %scan3A_13 : i32
      %scan3A_15 = arith.constant 1 : i32
      scf.for %scan3A_17 = %scan3A_12 to %scan3A_14 step %scan3A_15  : i32 {
        %mul3A = arith.constant 1000 : i32
        %mul3A_18 = arith.muli %arg1, %mul3A : i32
        %mul3A_19 = arith.constant 40 : i32
        %mul3A_20 = arith.muli %scan3A_17, %mul3A_19 : i32
        %add3A = arith.addi %mul3A_18, %mul3A_20 : i32
        "tpu.region"() ({
          %run_scoped3A = tpu.sem_alloc : memref<!tpu.dma_semaphore, #tpu.memory_space<semaphore_mem>>
          %dma_start3A = arith.constant 0 : i32
          %dma_start3A_30 = tpu.memref_slice %arg10[%add3A, %dma_start3A] : memref<10000x128xf32, #tpu.memory_space<vmem_shared>> -> memref<40x128xf32, #tpu.memory_space<vmem_shared>>
          %dma_start3A_31 = arith.constant 0 : i32
          %dma_start3A_32 = tpu.memref_slice %arg10[%add3A, %dma_start3A_31] : memref<10000x128xf32, #tpu.memory_space<vmem_shared>> -> memref<40x128xf32, #tpu.memory_space<vmem_shared>>
          tpu.enqueue_dma source(%dma_start3A_32 : memref<40x128xf32, #tpu.memory_space<vmem_shared>>) target(%arg9 : memref<40x128xf32, #tpu.memory_space<vmem>>) target_semaphore(%run_scoped3A : memref<!tpu.dma_semaphore, #tpu.memory_space<semaphore_mem>>)
          %dma_wait3A = arith.constant 0 : i32
          %dma_wait3A_33 = tpu.memref_slice %arg10[%add3A, %dma_wait3A] : memref<10000x128xf32, #tpu.memory_space<vmem_shared>> -> memref<40x128xf32, #tpu.memory_space<vmem_shared>>
          %dma_wait3A_34 = arith.constant 0 : i32
          %dma_wait3A_35 = tpu.memref_slice %arg10[%add3A, %dma_wait3A_34] : memref<10000x128xf32, #tpu.memory_space<vmem_shared>> -> memref<40x128xf32, #tpu.memory_space<vmem_shared>>
          tpu.wait_dma2 semaphore(%run_scoped3A : memref<!tpu.dma_semaphore, #tpu.memory_space<semaphore_mem>>) src(%dma_wait3A_35 : memref<40x128xf32, #tpu.memory_space<vmem_shared>>) dst(%arg9 : memref<40x128xf32, #tpu.memory_space<vmem>>)
          tpu.yield
        }) : () -> ()
        %eq3A = arith.constant 0 : i32
        %eq3A_21 = arith.cmpi eq, %arg0, %eq3A : i32
        %convert_element_type3A_22 = arith.extui %eq3A_21 : i1 to i32
        %cond3A_23 = arith.constant 0 : i32
        %cond3A_24 = arith.cmpi ne, %convert_element_type3A_22, %cond3A_23 : i32
        scf.if %cond3A_24 {
          "tpu.region"() ({
            %run_scoped3A = tpu.sem_alloc : memref<!tpu.dma_semaphore, #tpu.memory_space<semaphore_mem>>
            %dma_start3A = arith.constant 0 : i32
            %dma_start3A_30 = tpu.memref_slice %arg6[%add3A, %dma_start3A] : memref<10000x128xf32, #tpu.memory_space<hbm>> -> memref<40x128xf32, #tpu.memory_space<hbm>>
            %dma_start3A_31 = arith.constant 0 : i32
            %dma_start3A_32 = tpu.memref_slice %arg6[%add3A, %dma_start3A_31] : memref<10000x128xf32, #tpu.memory_space<hbm>> -> memref<40x128xf32, #tpu.memory_space<hbm>>
            tpu.enqueue_dma source(%arg9 : memref<40x128xf32, #tpu.memory_space<vmem>>) target(%dma_start3A_32 : memref<40x128xf32, #tpu.memory_space<hbm>>) target_semaphore(%run_scoped3A : memref<!tpu.dma_semaphore, #tpu.memory_space<semaphore_mem>>)
            %dma_wait3A = arith.constant 0 : i32
            %dma_wait3A_33 = tpu.memref_slice %arg6[%add3A, %dma_wait3A] : memref<10000x128xf32, #tpu.memory_space<hbm>> -> memref<40x128xf32, #tpu.memory_space<hbm>>
            %dma_wait3A_34 = arith.constant 0 : i32
            %dma_wait3A_35 = tpu.memref_slice %arg6[%add3A, %dma_wait3A_34] : memref<10000x128xf32, #tpu.memory_space<hbm>> -> memref<40x128xf32, #tpu.memory_space<hbm>>
            tpu.wait_dma2 semaphore(%run_scoped3A : memref<!tpu.dma_semaphore, #tpu.memory_space<semaphore_mem>>) src(%arg9 : memref<40x128xf32, #tpu.memory_space<vmem>>) dst(%dma_wait3A_35 : memref<40x128xf32, #tpu.memory_space<hbm>>)
            tpu.yield
          }) : () -> ()
        } else {
        }
        %eq3A_25 = arith.constant 1 : i32
        %eq3A_26 = arith.cmpi eq, %arg0, %eq3A_25 : i32
        %convert_element_type3A_27 = arith.extui %eq3A_26 : i1 to i32
        %cond3A_28 = arith.constant 0 : i32
        %cond3A_29 = arith.cmpi ne, %convert_element_type3A_27, %cond3A_28 : i32
        scf.if %cond3A_29 {
          "tpu.region"() ({
            %run_scoped3A = tpu.sem_alloc : memref<!tpu.dma_semaphore, #tpu.memory_space<semaphore_mem>>
            %dma_start3A = arith.constant 0 : i32
            %dma_start3A_30 = tpu.memref_slice %arg7[%add3A, %dma_start3A] : memref<10000x128xf32, #tpu.memory_space<hbm>> -> memref<40x128xf32, #tpu.memory_space<hbm>>
            %dma_start3A_31 = arith.constant 0 : i32
            %dma_start3A_32 = tpu.memref_slice %arg7[%add3A, %dma_start3A_31] : memref<10000x128xf32, #tpu.memory_space<hbm>> -> memref<40x128xf32, #tpu.memory_space<hbm>>
            tpu.enqueue_dma source(%arg9 : memref<40x128xf32, #tpu.memory_space<vmem>>) target(%dma_start3A_32 : memref<40x128xf32, #tpu.memory_space<hbm>>) target_semaphore(%run_scoped3A : memref<!tpu.dma_semaphore, #tpu.memory_space<semaphore_mem>>)
            %dma_wait3A = arith.constant 0 : i32
            %dma_wait3A_33 = tpu.memref_slice %arg7[%add3A, %dma_wait3A] : memref<10000x128xf32, #tpu.memory_space<hbm>> -> memref<40x128xf32, #tpu.memory_space<hbm>>
            %dma_wait3A_34 = arith.constant 0 : i32
            %dma_wait3A_35 = tpu.memref_slice %arg7[%add3A, %dma_wait3A_34] : memref<10000x128xf32, #tpu.memory_space<hbm>> -> memref<40x128xf32, #tpu.memory_space<hbm>>
            tpu.wait_dma2 semaphore(%run_scoped3A : memref<!tpu.dma_semaphore, #tpu.memory_space<semaphore_mem>>) src(%arg9 : memref<40x128xf32, #tpu.memory_space<vmem>>) dst(%dma_wait3A_35 : memref<40x128xf32, #tpu.memory_space<hbm>>)
            tpu.yield
          }) : () -> ()
        } else {
        }
      }
      %scan3A_16 = arith.constant 25 : i32
    } else {
    }
    return
  }
}

module attributes {stable_mosaic.version = 14 : i64} {
  func.func @_proj_body(%arg0: i32, %arg1: memref<1000x16xf32, #tpu.memory_space<vmem>>, %arg2: memref<16x32xf32, #tpu.memory_space<vmem>>, %arg3: memref<1x32xf32, #tpu.memory_space<vmem>>, %arg4: memref<32x256xf32, #tpu.memory_space<vmem>>, %arg5: memref<32x256xf32, #tpu.memory_space<vmem>>, %arg6: memref<1000x256xf32, #tpu.memory_space<vmem>>, %arg7: memref<1000x256xf32, #tpu.memory_space<vmem>>) attributes {dimension_semantics = [#tpu.dimension_semantics<arbitrary>], iteration_bounds = array<i64: 10>, scalar_prefetch = 0 : i64, scratch_operands = 0 : i64, tpu.core_type = #tpu.core_type<tc>, window_params = [{transform_indices = @transform_0, window_bounds = array<i64: 1000, 16>}, {pipeline_mode = #tpu.pipeline_mode<synchronous>, transform_indices = @transform_1, window_bounds = array<i64: 16, 32>}, {pipeline_mode = #tpu.pipeline_mode<synchronous>, transform_indices = @transform_2, window_bounds = array<i64: 1, 32>}, {pipeline_mode = #tpu.pipeline_mode<synchronous>, transform_indices = @transform_3, window_bounds = array<i64: 32, 256>}, {pipeline_mode = #tpu.pipeline_mode<synchronous>, transform_indices = @transform_4, window_bounds = array<i64: 32, 256>}, {transform_indices = @transform_5, window_bounds = array<i64: 1000, 256>}, {transform_indices = @transform_6, window_bounds = array<i64: 1000, 256>}]} {
    %get3A = arith.constant 0 : index
    %get3A_0 = arith.constant 0 : index
    %get3A_1 = vector.load %arg1[%get3A, %get3A_0] : memref<1000x16xf32, #tpu.memory_space<vmem>>, vector<1000x16xf32>
    %get3A_2 = arith.constant 0 : index
    %get3A_3 = arith.constant 0 : index
    %get3A_4 = vector.load %arg2[%get3A_2, %get3A_3] : memref<16x32xf32, #tpu.memory_space<vmem>>, vector<16x32xf32>
    %dot_general3A = arith.constant dense<0.000000e+00> : vector<1000x32xf32>
    %dot_general3A_5 = tpu.matmul %get3A_1, %get3A_4, %dot_general3A {dimension_numbers = #tpu.dot_dimension_numbers<[1], [0], [0], [1], [0, 0, 1, 1], [], []>, transpose_lhs_hint = false} : vector<1000x16xf32>, vector<16x32xf32>, vector<1000x32xf32> -> vector<1000x32xf32>
    %get3A_6 = arith.constant 0 : index
    %get3A_7 = arith.constant 0 : index
    %get3A_8 = vector.load %arg3[%get3A_6, %get3A_7] : memref<1x32xf32, #tpu.memory_space<vmem>>, vector<1x32xf32>
    %add3A = vector.broadcast %get3A_8 : vector<1x32xf32> to vector<1000x32xf32>
    %add3A_9 = arith.addf %dot_general3A_5, %add3A : vector<1000x32xf32>
    %get3A_10 = arith.constant 0 : index
    %get3A_11 = arith.constant 0 : index
    %get3A_12 = vector.load %arg4[%get3A_10, %get3A_11] : memref<32x256xf32, #tpu.memory_space<vmem>>, vector<32x256xf32>
    %dot_general3A_13 = arith.constant dense<0.000000e+00> : vector<1000x256xf32>
    %dot_general3A_14 = tpu.matmul %add3A_9, %get3A_12, %dot_general3A_13 {dimension_numbers = #tpu.dot_dimension_numbers<[1], [0], [0], [1], [0, 0, 1, 1], [], []>, transpose_lhs_hint = false} : vector<1000x32xf32>, vector<32x256xf32>, vector<1000x256xf32> -> vector<1000x256xf32>
    %swap3A = arith.constant 0 : index
    %swap3A_15 = arith.constant 0 : index
    %swap3A_16 = vector.load %arg6[%swap3A, %swap3A_15] : memref<1000x256xf32, #tpu.memory_space<vmem>>, vector<1000x256xf32>
    tpu.vector_store %arg6[%swap3A, %swap3A_15], %dot_general3A_14 {strides = array<i32>} : memref<1000x256xf32, #tpu.memory_space<vmem>>, vector<1000x256xf32>,
    %get3A_17 = arith.constant 0 : index
    %get3A_18 = arith.constant 0 : index
    %get3A_19 = vector.load %arg5[%get3A_17, %get3A_18] : memref<32x256xf32, #tpu.memory_space<vmem>>, vector<32x256xf32>
    %dot_general3A_20 = arith.constant dense<0.000000e+00> : vector<1000x256xf32>
    %dot_general3A_21 = tpu.matmul %add3A_9, %get3A_19, %dot_general3A_20 {dimension_numbers = #tpu.dot_dimension_numbers<[1], [0], [0], [1], [0, 0, 1, 1], [], []>, transpose_lhs_hint = false} : vector<1000x32xf32>, vector<32x256xf32>, vector<1000x256xf32> -> vector<1000x256xf32>
    %swap3A_22 = arith.constant 0 : index
    %swap3A_23 = arith.constant 0 : index
    %swap3A_24 = vector.load %arg7[%swap3A_22, %swap3A_23] : memref<1000x256xf32, #tpu.memory_space<vmem>>, vector<1000x256xf32>
    tpu.vector_store %arg7[%swap3A_22, %swap3A_23], %dot_general3A_21 {strides = array<i32>} : memref<1000x256xf32, #tpu.memory_space<vmem>>, vector<1000x256xf32>,
    return
  }
  func.func @transform_0(%arg0: i32) -> (i32, i32) {
    %c0_i32 = arith.constant 0 : i32
    %c0_i32_0 = arith.constant 0 : i32
    return %arg0, %c0_i32 : i32, i32
  }
  func.func @transform_1(%arg0: i32) -> (i32, i32) {
    %c0_i32 = arith.constant 0 : i32
    %c0_i32_0 = arith.constant 0 : i32
    %c0_i32_1 = arith.constant 0 : i32
    return %c0_i32, %c0_i32_0 : i32, i32
  }
  func.func @transform_2(%arg0: i32) -> (i32, i32) {
    %c0_i32 = arith.constant 0 : i32
    %c0_i32_0 = arith.constant 0 : i32
    %c0_i32_1 = arith.constant 0 : i32
    return %c0_i32, %c0_i32_0 : i32, i32
  }
  func.func @transform_3(%arg0: i32) -> (i32, i32) {
    %c0_i32 = arith.constant 0 : i32
    %c0_i32_0 = arith.constant 0 : i32
    %c0_i32_1 = arith.constant 0 : i32
    return %c0_i32, %c0_i32_0 : i32, i32
  }
  func.func @transform_4(%arg0: i32) -> (i32, i32) {
    %c0_i32 = arith.constant 0 : i32
    %c0_i32_0 = arith.constant 0 : i32
    %c0_i32_1 = arith.constant 0 : i32
    return %c0_i32, %c0_i32_0 : i32, i32
  }
  func.func @transform_5(%arg0: i32) -> (i32, i32) {
    %c0_i32 = arith.constant 0 : i32
    %c0_i32_0 = arith.constant 0 : i32
    return %arg0, %c0_i32 : i32, i32
  }
  func.func @transform_6(%arg0: i32) -> (i32, i32) {
    %c0_i32 = arith.constant 0 : i32
    %c0_i32_0 = arith.constant 0 : i32
    return %arg0, %c0_i32 : i32, i32
  }
}

module attributes {stable_mosaic.version = 14 : i64} {
  func.func @_edge_body(%arg0: i32, %arg1: memref<1000x256xf32, #tpu.memory_space<vmem>>, %arg2: memref<1000x256xf32, #tpu.memory_space<vmem>>, %arg3: memref<1000x1xf32, #tpu.memory_space<vmem>>, %arg4: memref<1x256xf32, #tpu.memory_space<vmem>>, %arg5: memref<256x8xf32, #tpu.memory_space<vmem>>, %arg6: memref<1000x128xf32, #tpu.memory_space<vmem>>, %arg7: memref<1000x128xf32, #tpu.memory_space<vmem>>, %arg8: memref<1000x128xf32, #tpu.memory_space<vmem>>) attributes {dimension_semantics = [#tpu.dimension_semantics<arbitrary>], iteration_bounds = array<i64: 160>, scalar_prefetch = 0 : i64, scratch_operands = 0 : i64, tpu.core_type = #tpu.core_type<tc>, window_params = [{transform_indices = @transform_0, window_bounds = array<i64: 1000, 256>}, {transform_indices = @transform_1, window_bounds = array<i64: 1000, 256>}, {transform_indices = @transform_2, window_bounds = array<i64: 1000, 1>}, {pipeline_mode = #tpu.pipeline_mode<synchronous>, transform_indices = @transform_3, window_bounds = array<i64: 1, 256>}, {pipeline_mode = #tpu.pipeline_mode<synchronous>, transform_indices = @transform_4, window_bounds = array<i64: 256, 8>}, {transform_indices = @transform_5, window_bounds = array<i64: 1000, 128>}, {transform_indices = @transform_6, window_bounds = array<i64: 1000, 128>}, {transform_indices = @transform_7, window_bounds = array<i64: 1000, 128>}]} {
    %get3A = arith.constant 0 : index
    %get3A_0 = arith.constant 0 : index
    %get3A_1 = vector.load %arg1[%get3A, %get3A_0] : memref<1000x256xf32, #tpu.memory_space<vmem>>, vector<1000x256xf32>
    %get3A_2 = arith.constant 0 : index
    %get3A_3 = arith.constant 0 : index
    %get3A_4 = vector.load %arg2[%get3A_2, %get3A_3] : memref<1000x256xf32, #tpu.memory_space<vmem>>, vector<1000x256xf32>
    %add3A = arith.addf %get3A_1, %get3A_4 : vector<1000x256xf32>
    %get3A_5 = arith.constant 0 : index
    %get3A_6 = arith.constant 0 : index
    %get3A_7 = vector.load %arg3[%get3A_5, %get3A_6] : memref<1000x1xf32, #tpu.memory_space<vmem>>, vector<1000x1xf32>
    %get3A_8 = arith.constant 0 : index
    %get3A_9 = arith.constant 0 : index
    %get3A_10 = vector.load %arg4[%get3A_8, %get3A_9] : memref<1x256xf32, #tpu.memory_space<vmem>>, vector<1x256xf32>
    %mul3A = vector.broadcast %get3A_7 : vector<1000x1xf32> to vector<1000x256xf32>
    %mul3A_11 = vector.broadcast %get3A_10 : vector<1x256xf32> to vector<1000x256xf32>
    %mul3A_12 = arith.mulf %mul3A, %mul3A_11 : vector<1000x256xf32>
    %add3A_13 = arith.addf %add3A, %mul3A_12 : vector<1000x256xf32>
    %mul3A_14 = arith.constant 2.000000e-01 : f32
    %mul3A_15 = vector.broadcast %mul3A_14 : f32 to vector<1000x256xf32>
    %mul3A_16 = arith.mulf %mul3A_15, %add3A_13 : vector<1000x256xf32>
    %max3A = arith.maximumf %add3A_13, %mul3A_16 : vector<1000x256xf32>
    %get3A_17 = arith.constant 0 : index
    %get3A_18 = arith.constant 0 : index
    %get3A_19 = vector.load %arg5[%get3A_17, %get3A_18] : memref<256x8xf32, #tpu.memory_space<vmem>>, vector<256x8xf32>
    %dot_general3A = arith.constant dense<0.000000e+00> : vector<1000x8xf32>
    %dot_general3A_20 = tpu.matmul %max3A, %get3A_19, %dot_general3A {dimension_numbers = #tpu.dot_dimension_numbers<[1], [0], [0], [1], [0, 0, 1, 1], [], []>, transpose_lhs_hint = false} : vector<1000x256xf32>, vector<256x8xf32>, vector<1000x8xf32> -> vector<1000x8xf32>
    %exp3A = math.exp %dot_general3A_20 : vector<1000x8xf32>
    %broadcast_in_dim3A = vector.shape_cast %exp3A : vector<1000x8xf32> to vector<1000x8x1xf32>
    %broadcast_in_dim3A_21 = vector.shape_cast %broadcast_in_dim3A : vector<1000x8x1xf32> to vector<1000x8x1xf32>
    %broadcast_in_dim3A_22 = vector.broadcast %broadcast_in_dim3A_21 : vector<1000x8x1xf32> to vector<1000x8x32xf32>
    %reshape3A = vector.shape_cast %broadcast_in_dim3A_22 : vector<1000x8x32xf32> to vector<1000x256xf32>
    %mul3A_23 = arith.mulf %reshape3A, %get3A_1 : vector<1000x256xf32>
    %slice3A = vector.extract_strided_slice %mul3A_23 {offsets = [0, 0], sizes = [1000, 128], strides = [1, 1]} : vector<1000x256xf32> to vector<1000x128xf32>
    %swap3A = arith.constant 0 : index
    %swap3A_24 = arith.constant 0 : index
    %swap3A_25 = vector.load %arg6[%swap3A, %swap3A_24] : memref<1000x128xf32, #tpu.memory_space<vmem>>, vector<1000x128xf32>
    tpu.vector_store %arg6[%swap3A, %swap3A_24], %slice3A {strides = array<i32>} : memref<1000x128xf32, #tpu.memory_space<vmem>>, vector<1000x128xf32>,
    %slice3A_26 = vector.extract_strided_slice %mul3A_23 {offsets = [0, 128], sizes = [1000, 128], strides = [1, 1]} : vector<1000x256xf32> to vector<1000x128xf32>
    %swap3A_27 = arith.constant 0 : index
    %swap3A_28 = arith.constant 0 : index
    %swap3A_29 = vector.load %arg7[%swap3A_27, %swap3A_28] : memref<1000x128xf32, #tpu.memory_space<vmem>>, vector<1000x128xf32>
    tpu.vector_store %arg7[%swap3A_27, %swap3A_28], %slice3A_26 {strides = array<i32>} : memref<1000x128xf32, #tpu.memory_space<vmem>>, vector<1000x128xf32>,
    %broadcast_in_dim3A_30 = arith.constant 0.000000e+00 : f32
    %broadcast_in_dim3A_31 = vector.broadcast %broadcast_in_dim3A_30 : f32 to vector<1000x120xf32>
    %concatenate3A = tpu.concatenate %exp3A, %broadcast_in_dim3A_31 in 1 : vector<1000x8xf32>, vector<1000x120xf32> -> vector<1000x128xf32>
    %swap3A_32 = arith.constant 0 : index
    %swap3A_33 = arith.constant 0 : index
    %swap3A_34 = vector.load %arg8[%swap3A_32, %swap3A_33] : memref<1000x128xf32, #tpu.memory_space<vmem>>, vector<1000x128xf32>
    tpu.vector_store %arg8[%swap3A_32, %swap3A_33], %concatenate3A {strides = array<i32>} : memref<1000x128xf32, #tpu.memory_space<vmem>>, vector<1000x128xf32>,
    return
  }
  func.func @transform_0(%arg0: i32) -> (i32, i32) {
    %c0_i32 = arith.constant 0 : i32
    %c0_i32_0 = arith.constant 0 : i32
    return %arg0, %c0_i32 : i32, i32
  }
  func.func @transform_1(%arg0: i32) -> (i32, i32) {
    %c0_i32 = arith.constant 0 : i32
    %c0_i32_0 = arith.constant 0 : i32
    return %arg0, %c0_i32 : i32, i32
  }
  func.func @transform_2(%arg0: i32) -> (i32, i32) {
    %c0_i32 = arith.constant 0 : i32
    %c0_i32_0 = arith.constant 0 : i32
    return %arg0, %c0_i32 : i32, i32
  }
  func.func @transform_3(%arg0: i32) -> (i32, i32) {
    %c0_i32 = arith.constant 0 : i32
    %c0_i32_0 = arith.constant 0 : i32
    %c0_i32_1 = arith.constant 0 : i32
    return %c0_i32, %c0_i32_0 : i32, i32
  }
  func.func @transform_4(%arg0: i32) -> (i32, i32) {
    %c0_i32 = arith.constant 0 : i32
    %c0_i32_0 = arith.constant 0 : i32
    %c0_i32_1 = arith.constant 0 : i32
    return %c0_i32, %c0_i32_0 : i32, i32
  }
  func.func @transform_5(%arg0: i32) -> (i32, i32) {
    %c0_i32 = arith.constant 0 : i32
    %c0_i32_0 = arith.constant 0 : i32
    return %arg0, %c0_i32 : i32, i32
  }
  func.func @transform_6(%arg0: i32) -> (i32, i32) {
    %c0_i32 = arith.constant 0 : i32
    %c0_i32_0 = arith.constant 0 : i32
    return %arg0, %c0_i32 : i32, i32
  }
  func.func @transform_7(%arg0: i32) -> (i32, i32) {
    %c0_i32 = arith.constant 0 : i32
    %c0_i32_0 = arith.constant 0 : i32
    return %arg0, %c0_i32 : i32, i32
  }
}

module attributes {stable_mosaic.version = 14 : i64} {
  func.func @_head_body(%arg0: i32, %arg1: memref<1000x128xf32, #tpu.memory_space<vmem>>, %arg2: memref<1000x128xf32, #tpu.memory_space<vmem>>, %arg3: memref<1000x128xf32, #tpu.memory_space<vmem>>, %arg4: memref<1000x128xf32, #tpu.memory_space<vmem>>, %arg5: memref<256x1000xf32, #tpu.memory_space<vmem>>, %arg6: memref<1x1000xf32, #tpu.memory_space<vmem>>, %arg7: memref<1000x1000xf32, #tpu.memory_space<vmem>>) attributes {dimension_semantics = [#tpu.dimension_semantics<arbitrary>], iteration_bounds = array<i64: 10>, scalar_prefetch = 0 : i64, scratch_operands = 0 : i64, tpu.core_type = #tpu.core_type<tc>, window_params = [{transform_indices = @transform_0, window_bounds = array<i64: 1000, 128>}, {transform_indices = @transform_1, window_bounds = array<i64: 1000, 128>}, {transform_indices = @transform_2, window_bounds = array<i64: 1000, 128>}, {transform_indices = @transform_3, window_bounds = array<i64: 1000, 128>}, {pipeline_mode = #tpu.pipeline_mode<synchronous>, transform_indices = @transform_4, window_bounds = array<i64: 256, 1000>}, {pipeline_mode = #tpu.pipeline_mode<synchronous>, transform_indices = @transform_5, window_bounds = array<i64: 1, 1000>}, {transform_indices = @transform_6, window_bounds = array<i64: 1000, 1000>}]} {
    %get3A = arith.constant 0 : index
    %get3A_0 = arith.constant 0 : index
    %get3A_1 = vector.load %arg3[%get3A, %get3A_0] : memref<1000x128xf32, #tpu.memory_space<vmem>>, vector<1000x128xf32>
    %get3A_2 = arith.constant 0 : index
    %get3A_3 = arith.constant 0 : index
    %get3A_4 = vector.load %arg4[%get3A_2, %get3A_3] : memref<1000x128xf32, #tpu.memory_space<vmem>>, vector<1000x128xf32>
    %add3A = arith.addf %get3A_1, %get3A_4 : vector<1000x128xf32>
    %slice3A = vector.extract_strided_slice %add3A {offsets = [0, 0], sizes = [1000, 8], strides = [1, 1]} : vector<1000x128xf32> to vector<1000x8xf32>
    %add3A_5 = arith.constant 1.000000e-16 : f32
    %add3A_6 = vector.broadcast %add3A_5 : f32 to vector<1000x8xf32>
    %add3A_7 = arith.addf %slice3A, %add3A_6 : vector<1000x8xf32>
    %slice3A_8 = vector.extract_strided_slice %add3A_7 {offsets = [0, 0], sizes = [1000, 4], strides = [1, 1]} : vector<1000x8xf32> to vector<1000x4xf32>
    %broadcast_in_dim3A = vector.shape_cast %slice3A_8 : vector<1000x4xf32> to vector<1000x4x1xf32>
    %broadcast_in_dim3A_9 = vector.shape_cast %broadcast_in_dim3A : vector<1000x4x1xf32> to vector<1000x4x1xf32>
    %broadcast_in_dim3A_10 = vector.broadcast %broadcast_in_dim3A_9 : vector<1000x4x1xf32> to vector<1000x4x32xf32>
    %reshape3A = vector.shape_cast %broadcast_in_dim3A_10 : vector<1000x4x32xf32> to vector<1000x128xf32>
    %slice3A_11 = vector.extract_strided_slice %add3A_7 {offsets = [0, 4], sizes = [1000, 4], strides = [1, 1]} : vector<1000x8xf32> to vector<1000x4xf32>
    %broadcast_in_dim3A_12 = vector.shape_cast %slice3A_11 : vector<1000x4xf32> to vector<1000x4x1xf32>
    %broadcast_in_dim3A_13 = vector.shape_cast %broadcast_in_dim3A_12 : vector<1000x4x1xf32> to vector<1000x4x1xf32>
    %broadcast_in_dim3A_14 = vector.broadcast %broadcast_in_dim3A_13 : vector<1000x4x1xf32> to vector<1000x4x32xf32>
    %reshape3A_15 = vector.shape_cast %broadcast_in_dim3A_14 : vector<1000x4x32xf32> to vector<1000x128xf32>
    %get3A_16 = arith.constant 0 : index
    %get3A_17 = arith.constant 0 : index
    %get3A_18 = vector.load %arg1[%get3A_16, %get3A_17] : memref<1000x128xf32, #tpu.memory_space<vmem>>, vector<1000x128xf32>
    %div3A = arith.divf %get3A_18, %reshape3A : vector<1000x128xf32>
    %get3A_19 = arith.constant 0 : index
    %get3A_20 = arith.constant 0 : index
    %get3A_21 = vector.load %arg2[%get3A_19, %get3A_20] : memref<1000x128xf32, #tpu.memory_space<vmem>>, vector<1000x128xf32>
    %div3A_22 = arith.divf %get3A_21, %reshape3A_15 : vector<1000x128xf32>
    %concatenate3A = tpu.concatenate %div3A, %div3A_22 in 1 : vector<1000x128xf32>, vector<1000x128xf32> -> vector<1000x256xf32>
    %gt3A = arith.constant 0.000000e+00 : f32
    %gt3A_23 = vector.broadcast %gt3A : f32 to vector<1000x256xf32>
    %gt3A_24 = arith.cmpf ogt, %concatenate3A, %gt3A_23 : vector<1000x256xf32>
    %min3A = arith.constant 0.000000e+00 : f32
    %min3A_25 = vector.broadcast %min3A : f32 to vector<1000x256xf32>
    %min3A_26 = arith.minimumf %concatenate3A, %min3A_25 : vector<1000x256xf32>
    %exp3A = math.exp %min3A_26 : vector<1000x256xf32>
    %sub3A = arith.constant 1.000000e+00 : f32
    %sub3A_27 = vector.broadcast %sub3A : f32 to vector<1000x256xf32>
    %sub3A_28 = arith.subf %exp3A, %sub3A_27 : vector<1000x256xf32>
    %select_n3A = arith.select %gt3A_24, %concatenate3A, %sub3A_28 : vector<1000x256xi1>, vector<1000x256xf32>
    %get3A_29 = arith.constant 0 : index
    %get3A_30 = arith.constant 0 : index
    %get3A_31 = vector.load %arg5[%get3A_29, %get3A_30] : memref<256x1000xf32, #tpu.memory_space<vmem>>, vector<256x1000xf32>
    %dot_general3A = arith.constant dense<0.000000e+00> : vector<1000x1000xf32>
    %dot_general3A_32 = tpu.matmul %select_n3A, %get3A_31, %dot_general3A {dimension_numbers = #tpu.dot_dimension_numbers<[1], [0], [0], [1], [0, 0, 1, 1], [], []>, transpose_lhs_hint = false} : vector<1000x256xf32>, vector<256x1000xf32>, vector<1000x1000xf32> -> vector<1000x1000xf32>
    %get3A_33 = arith.constant 0 : index
    %get3A_34 = arith.constant 0 : index
    %get3A_35 = vector.load %arg6[%get3A_33, %get3A_34] : memref<1x1000xf32, #tpu.memory_space<vmem>>, vector<1x1000xf32>
    %add3A_36 = vector.broadcast %get3A_35 : vector<1x1000xf32> to vector<1000x1000xf32>
    %add3A_37 = arith.addf %dot_general3A_32, %add3A_36 : vector<1000x1000xf32>
    %swap3A = arith.constant 0 : index
    %swap3A_38 = arith.constant 0 : index
    %swap3A_39 = vector.load %arg7[%swap3A, %swap3A_38] : memref<1000x1000xf32, #tpu.memory_space<vmem>>, vector<1000x1000xf32>
    tpu.vector_store %arg7[%swap3A, %swap3A_38], %add3A_37 {strides = array<i32>} : memref<1000x1000xf32, #tpu.memory_space<vmem>>, vector<1000x1000xf32>,
    return
  }
  func.func @transform_0(%arg0: i32) -> (i32, i32) {
    %c0_i32 = arith.constant 0 : i32
    %c0_i32_0 = arith.constant 0 : i32
    return %arg0, %c0_i32 : i32, i32
  }
  func.func @transform_1(%arg0: i32) -> (i32, i32) {
    %c0_i32 = arith.constant 0 : i32
    %c0_i32_0 = arith.constant 0 : i32
    return %arg0, %c0_i32 : i32, i32
  }
  func.func @transform_2(%arg0: i32) -> (i32, i32) {
    %c0_i32 = arith.constant 0 : i32
    %c0_i32_0 = arith.constant 0 : i32
    return %arg0, %c0_i32 : i32, i32
  }
  func.func @transform_3(%arg0: i32) -> (i32, i32) {
    %c0_i32 = arith.constant 0 : i32
    %c0_i32_0 = arith.constant 0 : i32
    return %arg0, %c0_i32 : i32, i32
  }
  func.func @transform_4(%arg0: i32) -> (i32, i32) {
    %c0_i32 = arith.constant 0 : i32
    %c0_i32_0 = arith.constant 0 : i32
    %c0_i32_1 = arith.constant 0 : i32
    return %c0_i32, %c0_i32_0 : i32, i32
  }
  func.func @transform_5(%arg0: i32) -> (i32, i32) {
    %c0_i32 = arith.constant 0 : i32
    %c0_i32_0 = arith.constant 0 : i32
    %c0_i32_1 = arith.constant 0 : i32
    return %c0_i32, %c0_i32_0 : i32, i32
  }
  func.func @transform_6(%arg0: i32) -> (i32, i32) {
    %c0_i32 = arith.constant 0 : i32
    %c0_i32_0 = arith.constant 0 : i32
    return %arg0, %c0_i32 : i32, i32
  }
}

</mosaic_0001>

<sc_bundles>
// kernel: kernel.11.cloned.1.call-start
scs
__scs_entry_jumppad:
0x0: {  	(pc) =	sbr.rel $0x88, $3  }
0x1: {  	(tag) =	ssettag $0x0;
	lr =	simm.s32 $0x1  }
0x2: {  	[smem:$0x3F96] =	sst lr;
	_ =	strace $0xD0000000  }
0x3: {  	_ = 	snop  }
0x4: {  	_ = 	snop  }
0x5: {  	_ = 	snop  }
0x6: {  	_ = 	snop  }
0x7: {  	_ = 	snop  }
__scs_overlays_trampoline_lowered:
0x8: {  	[smem:$0x3FA5] =	sst s0  }
0x9: {  	[smem:$0x3FA6] =	sst s1  }
0xa: {  	[smem:$0x3FA7] =	sst s2  }
0xb: {  	[smem:$0x3FA8] =	sst s3  }
0xc: {  	[smem:$0x3FA9] =	sst s4  }
0xd: {  	[smem:$0x3FAA] =	sst s5  }
0xe: {  	[smem:$0x3FAB] =	sst s6  }
0xf: {  	[smem:$0x3FAC] =	sst s7  }
0x10: {  	[smem:$0x3FAD] =	sst s8  }
0x11: {  	[smem:$0x3FAE] =	sst s9;
	s0 =	simm.s32 @!p0 $0x0  }
0x12: {  	s1 =	sld [smem:$0x3F94];
	s0 =	simm.s32 @p0 $0x1  }
0x13: {  	[smem:$0x3FAF] =	sst s0;
	s0 =	simm.s32 @!p1 $0x0  }
0x14: {  	s2 =	sld [smem:$0x3F93];
	s0 =	simm.s32 @p1 $0x1  }
0x15: {  	[smem:$0x3FB0] =	sst s0;
	s0 =	simm.s32 @!p2 $0x0  }
0x16: {  	s3 =	sld [smem:$0x3FDB];
	s0 =	simm.s32 @p2 $0x1  }
0x17: {  	s4 =	simm.s32 $0x1BF5;
	[smem:$0x3FB2] =	sst s0  }
0x18: {  	s0 =	sld [smem:$0x3F95];
	_ =	swait.ge [sflag:s4], $0x0  }
0x19: {  	s7 =	sld [smem:$0x3F96]  }
0x1a: {  	s8 =	sadd.s32 $0xFFFFE003, lr  }
0x1b: {  	s9 =	sadd.s32 $0xFFFFFEF7, lr;
	s5 =	simm.s32 $0xFFFFFFFF;
	p2 =	slt.u32 s8, $0xFFFFF086  }
0x1c: {  	p1 =	slt.u32 s9, $0xF7A;
	s5 =	simm.s32 @!p2 $0x0  }
0x1d: {  	s5 =	simm.s32 @p1 $0x1;
	p0 =	seq.s32 s7, s2  }
0x1e: {  	s7 =	smul.u32 @!p0 $0xF7A, s2;
	p2 =	seq.s32 @!p0 s5, $0x0  }
0x1f: {  	s9 =	smul.u32 $0xF7A, s1;
	s8 =	simm.s32 @!p0 $0x1BF5;
	p2 =	por !p2, p0  }
0x20: {  	[sflag:s8] =	ssyncset.s32 @!p0 $0xFFFFF086;
	s6 =	sadd.s32 @!p0 s3, s7;
	s7 =	simm.s32 @!p0 $0x108  }
0x21: {  	s3 =	sadd.s32 s3, s9;
	s6 =	sadd.s32 @!p0 $0x88, s6;
	s7 =	simm.s32 @p2 $0x1082  }
0x22: {  	[simem:s7], [sflag:s8] =	dma.local @!p0 [hbm:s6], $0xF7A  }
0x23: {  	s9 =	sor.u32 $0xD0000000, s2;
	s6 =	simm.s32 $0x108;
	_ =	swait.ge @!p0 [sflag:s8], $0x0  }
0x24: {  	s3 =	sadd.s32 $0x88, s3;
	s6 =	simm.s32 @!p1 $0x1082;
	[sflag:s4] =	ssyncset.s32 $0xFFFFF086  }
0x25: {  	[simem:s6], [sflag:s4] =	dma.local [hbm:s3], $0xF7A  }
0x26: {  	[smem:$0x3F96] =	sst s1;
	(tag) =	ssettag s2;
	_ =	strace s9  }
0x27: {  	s1 =	sld [smem:$0x3FA6]  }
0x28: {  	s2 =	sld [smem:$0x3FA7]  }
0x29: {  	s4 =	sld [smem:$0x3FA9]  }
0x2a: {  	p0 =	seq.s32 s5, $0x0;
	s5 =	sld [smem:$0x3FAA]  }
0x2b: {  	s6 =	sld [smem:$0x3FAB]  }
0x2c: {  	s7 =	sld [smem:$0x3FAC]  }
0x2d: {  	s3 =	simm.s32 $0x108;
	s8 =	sld [smem:$0x3FAD]  }
0x2e: {  	s3 =	simm.s32 @!p0 $0x1082;
	s9 =	sld [smem:$0x3FAE]  }
0x2f: {  	lr =	sadd.s32 s0, s3;
	s0 =	sld [smem:$0x3FA5]  }
0x30: {  	s3 =	sld [smem:$0x3FA8]  }
0x31: {  	[smem:$0x3FB1] =	sst s10  }
0x32: {  	s10 =	sld [smem:$0x3FAF];
	_ =	sdelay $0x3  }
0x33: {  	p0 =	seq.s32 s10, $0x1;
	s10 =	sld [smem:$0x3FB1];
	_ =	sdelay $0x3  }
0x34: {  	[smem:$0x3FB1] =	sst s10  }
0x35: {  	s10 =	sld [smem:$0x3FB0];
	_ =	sdelay $0x3  }
0x36: {  	p1 =	seq.s32 s10, $0x1;
	s10 =	sld [smem:$0x3FB1];
	_ =	sdelay $0x3  }
0x37: {  	[smem:$0x3FB1] =	sst s10  }
0x38: {  	s10 =	sld [smem:$0x3FB2]  }
0x39: {  	_ = 	snop;
	(pc) =	sbr.ind lr, $3  }
0x3a: {  	_ = 	snop  }
0x3b: {  	_ = 	snop  }
0x3c: {  	p2 =	seq.s32 s10, $0x1;
	s10 =	sld [smem:$0x3FB1]  }
0x3d: {  	_ =	shalt  }
0x3e: {  	_ =	shalt  }
0x3f: {  	_ =	shalt  }
0x40: {  	_ =	shalt  }
0x41: {  	_ =	shalt  }
0x42: {  	_ =	shalt  }
0x43: {  	_ =	shalt  }
0x44: {  	_ =	shalt  }
0x45: {  	_ =	shalt  }
0x46: {  	_ =	shalt  }
0x47: {  	_ =	shalt  }
0x48: {  	_ =	shalt  }
0x49: {  	_ =	shalt  }
0x4a: {  	_ =	shalt  }
0x4b: {  	_ =	shalt  }
0x4c: {  	_ =	shalt  }
0x4d: {  	_ =	shalt  }
0x4e: {  	_ =	shalt  }
0x4f: {  	_ =	shalt  }
0x50: {  	_ =	shalt  }
0x51: {  	_ =	shalt  }
0x52: {  	_ =	shalt  }
0x53: {  	_ =	shalt  }
0x54: {  	_ =	shalt  }
0x55: {  	_ =	shalt  }
0x56: {  	_ =	shalt  }
0x57: {  	_ =	shalt  }
0x58: {  	_ =	shalt  }
0x59: {  	_ =	shalt  }
0x5a: {  	_ =	shalt  }
0x5b: {  	_ =	shalt  }
0x5c: {  	_ =	shalt  }
0x5d: {  	_ =	shalt  }
0x5e: {  	_ =	shalt  }
0x5f: {  	_ =	shalt  }
0x60: {  	_ =	shalt  }
0x61: {  	_ =	shalt  }
0x62: {  	_ =	shalt  }
0x63: {  	_ =	shalt  }
0x64: {  	_ =	shalt  }
0x65: {  	_ =	shalt  }
0x66: {  	_ =	shalt  }
0x67: {  	_ =	shalt  }
0x68: {  	_ =	shalt  }
0x69: {  	_ =	shalt  }
0x6a: {  	_ =	shalt  }
0x6b: {  	_ =	shalt  }
0x6c: {  	_ =	shalt  }
0x6d: {  	_ =	shalt  }
0x6e: {  	_ =	shalt  }
0x6f: {  	_ =	shalt  }
0x70: {  	_ =	shalt  }
0x71: {  	_ =	shalt  }
0x72: {  	_ =	shalt  }
0x73: {  	_ =	shalt  }
0x74: {  	_ =	shalt  }
0x75: {  	_ =	shalt  }
0x76: {  	_ =	shalt  }
0x77: {  	_ =	shalt  }
0x78: {  	_ =	shalt  }
0x79: {  	_ =	shalt  }
0x7a: {  	_ =	shalt  }
0x7b: {  	_ =	shalt  }
0x7c: {  	_ =	shalt  }
0x7d: {  	_ =	shalt  }
0x7e: {  	_ =	shalt  }
0x7f: {  	_ =	shalt  }
0x80: {  	_ =	shalt  }
0x81: {  	_ =	shalt  }
0x82: {  	_ =	shalt  }
0x83: {  	_ =	shalt  }
0x84: {  	_ =	shalt  }
0x85: {  	_ =	shalt  }
0x86: {  	_ =	shalt  }
0x87: {  	_ =	shalt  }
.Lfunc_end0:
.L_simem_size_0:
called_computation.1_lowered:
.L_overlay_start_0:
0x88: {  	s2 =	sld [smem:$0x3FD9]  }
0x89: {  	s3 =	sld [smem:$0x3FFE];
	_ =	sdelay $0x1  }
0x8a: {  	s1 =	srdreg.scid  }
0x8b: {  	s0 =	sand.u32 $0x1, s1  }
0x8c: {  	s16 =	sshll.u32 s0, $0xA;
	s2 =	sadd.s32 s3, s2  }
0x8d: {  	s2 =	sadd.s32 s2, s16  }
0x8e: {  	[smem:$0x3FBD] =	sst s2  }
0x8f: {  	_ = 	snop  }
0x90: {  	(tm) =	ssettm $0x1  }
0x91: {  	s17 =	sld [smem:$0x3FFB];
	_ =	sdelay $0x3  }
0x92: {  	_ =	strace s17  }
0x93: {  	s2 =	sld [smem:$0x3FFC];
	_ =	sdelay $0x3  }
0x94: {  	_ =	strace s2  }
0x95: {  	s2 =	sld [smem:$0x3FFD];
	_ =	sdelay $0x3  }
0x96: {  	_ =	strace s2  }
0x97: {  	_ =	strace $0x8FFFFFFF  }
0x98: {  	s18 =	sld [smem:$0x3FDB];
	_ =	sdelay $0x1  }
0x99: {  	s19 =	simm.s32 $_scs_section_size  }
0x9a: {  	s4 =	simm.s32 $_size__tile_overlayer_lowered;
	s5 =	simm.s32 $_tile_overlayer_lowered  }
0x9b: {  	s22 =	simm.s32 $0x1BFF;
	s21 =	sshll.u32 s5, $0x1;
	s2 =	sadd.s32 s19, s18  }
0x9c: {  	s6 =	simm.s32 $0x0;
	s20 =	sshll.u32 s4, $0x1;
	s4 =	sadd.s32 s21, s2  }
0x9d: {  	[timem:s6], [sflag:s22] =	dma.local [hbm:s4], s20  }
0x9e: {  	_ =	swait.ge [sflag:s22], s20  }
0x9f: {  	s3 =	ssub.s32 $0x0, s20;
	[sflag:s22] =	ssyncset.done $0x0  }
0xa0: {  	[sflag:s22] =	ssyncadd.s32 s3;
	_ =	sdelay $0x1  }
0xa1: {  	s23 =	simm.s32 $0x1B8B  }
0xa2: {  	_ =	swait.ge [sflag:s23], $0x1  }
0xa3: {  	[sflag:s23] =	ssyncset.done $0x0  }
0xa4: {  	s25 =	simm.s32 $0x1B8E;
	s24 =	sld [smem:$0x3FFE];
	[sflag:s23] =	ssyncadd.s32 $0xFFFFFFFF  }
0xa5: {  	s26 =	simm.s32 $execute0_lowered;
	[smem:$0x3FD2] =	sst s25  }
0xa6: {  	s4 =	sshll.u32 s26, $0x1;
	_ =	strace $0x80000049;
	[dreg:$0x1] =	wrdreg $0xFFFFFFFF  }
0xa7: {  	s28 =	simm.s32 $_size_execute0_lowered;
	s2 =	sadd.s32 s2, s4;
	[dreg:$0x0] =	wrdreg $0x0  }
0xa8: {  	s4 =	sshll.u32 s28, $0x1;
	[dreg:$0x2] =	wrdreg s2  }
0xa9: {  	[dreg:$0x3] =	wrdreg s4  }
0xaa: {  	[dreg:$0x4] =	wrdreg $0xC0  }
0xab: {  	_ =	task [dreg:s6], $0x5FFFF  }
0xac: {  	[dreg:$0x1] =	wrdreg $0xFFFFFFFF  }
0xad: {  	[dreg:$0x0] =	wrdreg $0x60  }
0xae: {  	[dreg:$0x2] =	wrdreg s24  }
0xaf: {  	[dreg:$0x3] =	wrdreg $0x14800  }
0xb0: {  	[dreg:$0x4] =	wrdreg $0x9  }
0xb1: {  	_ =	task.clear_ibuf [dreg:s6], $0x5FFFF;
	_ =	strace $0x90000049  }
0xb2: {  	s29 =	simm.s32 $0x9;
	_ =	strace $0x8000004B  }
0xb3: {  	_ =	swait.ge [sflag:s29], $0x1  }
0xb4: {  	[sflag:s29] =	ssyncadd.s32 $0xFFFFFFFF  }
0xb5: {  	_ =	strace $0x9000004B  }
0xb6: {  	_ =	sfence  }
0xb7: {  	s30 =	sld [smem:$0x0];
	_ =	sdelay $0x2  }
0xb8: {  	s31 =	sshll.u32 s1, $0xD;
	s1 =	sshrl.u32 s1, $0x2  }
0xb9: {  	s3 =	sand.u32 $0x4000, s31;
	s1 =	sadd.s32 s1, s30  }
0xba: {  	s0 =	sor.u32 s3, s0;
	s1 =	sshll.u32 s1, $0x11  }
0xbb: {  	s0 =	sor.u32 s1, s0  }
0xbc: {  	s0 =	sadd.s32 $0x8F2B, s0  }
0xbd: {  	[sflag:s0] =	ssyncadd.remote.s32 $0x1  }
0xbe: {  	_ =	sfence.sel $0xFFFF  }
0xbf: {  	[dreg:$0x0] =	wrdreg $0xFFFFFFFF;
	(pc) =	sbr.abs _section_cstart, $3  }
0xc0: {  	[dreg:$0x1] =	wrdreg $0xFFFFFFFF  }
0xc1: {  	_ =	task.clear_ibuf [dreg:s6], $0x2FFFF;
	_ =	strace $0x9FFFFFFF  }
0xc2: {  	(tm) =	ssettm $0x7FFFFFFF  }
0xc3: {  	_ =	shalt  }
tec
execute0_lowered:
.L_overlay_start_1:
0x0: {  	(tag) =	ssettag $0x1  }
0x1: {  	s6 =	rddreg [dreg:$0x0]  }
0x2: {  	s2 =	rddreg [dreg:$0x1]  }
0x3: {  	s0 =	rddreg [dreg:$0x2]  }
0x4: {  	s1 =	stileid.u32;
	s4 =	srdreg.scid  }
0x5: {  	s3 =	simm.s32 $0x0;
	s13 =	simm.s32 $0x2;
	s5 =	smul.u32 $0x4E2, s1  }
0x6: {  	s14 =	simm.s32 $0x2;
	s15 =	simm.s32 $0x0;
	s10 =	smul.u32 $0x7D000, s1  }
0x7: {  	s7 =	sand.u32 $0x1, s4;
	[smem:$0x7FF] =	sst s3;
	s11 =	smul.u32 $0x27100, s1  }
0x8: {  	s4 =	sadd.s32 $0x3000, s6;
	s31 =	smul.u32 $0x3E80, s1;
	s8 =	ssub.s32 $0x2, s7  }
0x9: {  	_ =	strace $0x8000004A;
	p0 =	seq.s32 s7, $0x1;
	p1 =	seq.s32 s7, $0x0  }
0xa: {  	s7 =	simm.s32 $0xF01200;
	s9 =	sadd.s32 s5, s6;
	s29 =	sshrl.u32 s8, $0x1  }
0xb: {  	s7 =	simm.s32 @!p0 $0xC90200;
	s30 =	sshrl.u32 s10, $0x2;
	p0 =	sgt.u32 s1, $0x9  }
.Ltmp0:
0xc: {  	s10 =	simm.s32 $0x80;
	s13 =	simm.s32 @!p1 $0x1;
	(pc) =	sbr.rel .LBB2_1-.Ltmp0, $4  }
0xd: {  	s5 =	ssub.s32 s8, s29;
	s8 =	simm.s32 $0xD000;
	s7 =	sadd.s32 s7, s6  }
0xe: {  	s5 =	smax.u32 s5, $0x1;
	s8 =	simm.s32 @!p1 $0x34200;
	s7 =	sadd.s32 s11, s7  }
0xf: {  	s11 =	simm.s32 $0x1;
	s12 =	sadd.s32 s8, s6;
	s6 =	sadd.s32 s30, s2  }
0x10: {  	s8 =	sadd.s32 $0x8000, s9;
	s9 =	sadd.s32 s31, s12;
	s12 =	simm.s32 $0x28  }
.LBB2_10:
0x11: {  	[sflag:s13] =	ssyncadd.s32 $0xFFFFEC00  }
.LBB2_11:
0x12: {  	s15 =	sadd.s32 $0x1, s15  }
0x13: {  	p1 =	sne.s32 s15, s5  }
.Ltmp1:
0x14: {  	_ = 	snop;
	(pc) =	sbr.rel @!p1 .LBB2_12-.Ltmp1, $1  }
0x15: {  	_ =	sdelay $0x3  }
.LBB2_1:
.Ltmp2:
0x16: {  	(pc) =	sbr.rel @p0 .LBB2_5-.Ltmp2, $1  }
0x17: {  	_ =	sdelay $0x3  }
0x18: {  	s16 =	simm.s32 $0x0  }
0x19: {  	[tilespmem:s10], [sflag:$0x1] =	stream.linear.gather [hbm4b:s4+s16], $0x1400, $0x38;
	[tilespmem:$0x14D00] =	vst v63  }
0x1a: {  	_ =	swait.ge [sflag:s11], $0x1400  }
0x1b: {  	[sflag:s11] =	ssyncset.done $0x0  }
0x1c: {  	s31 =	sadd.s32 $0x0, s6;
	[sflag:s11] =	ssyncadd.s32 $0xFFFFEC00  }
0x1d: {  	[spmem:s31] =	stream.linear.scatter [tilespmem:s10], [sflag:$0x1], $0x1400, $0x38;
	[tilespmem:$0x14D00] =	vst v63  }
0x1e: {  	s16 =	simm.s32 $0x5000;
	_ =	swait.ge [sflag:s11], $0x1400  }
.LBB2_3:
0x1f: {  	s17 =	sshra.s32 s16, $0x2;
	[sflag:s11] =	ssyncset.done $0x0;
	p1 =	sne.s32 s16, $0x78000  }
.Ltmp3:
0x20: {  	s17 =	sadd.s32 s17, s6;
	[sflag:s11] =	ssyncadd.s32 $0xFFFFEC00;
	(pc) =	sbr.rel @p1 .LBB2_3-.Ltmp3, $3  }
0x21: {  	[spmem:s17] =	stream.linear.scatter [tilespmem:s10], [sflag:$0x1], $0x1400, $0x38;
	[tilespmem:$0x14D00] =	vst v63  }
0x22: {  	s16 =	sadd.s32 $0x5000, s16;
	_ =	sdelay $0x1  }
0x23: {  	_ =	swait.ge [sflag:s11], $0x1400  }
0x24: {  	[sflag:s11] =	ssyncset.done $0x0  }
0x25: {  	[sflag:s11] =	ssyncadd.s32 $0xFFFFEC00  }
.LBB2_5:
0x26: {  	[bflag:$0x0] =	sbarrier.arrive $0xFFFF;
	s16 =	sadd.s32 $0x0, s8  }
0x27: {  	[tilespmem:s3], [sflag:$0x1] =	stream.linear.gather [hbm4b:s16+s3], $0x28, $0x38;
	[tilespmem:$0x14D00] =	vst v63  }
0x28: {  	_ =	swait.ge [sflag:s11], $0x28  }
0x29: {  	[sflag:s11] =	ssyncset.done $0x0  }
0x2a: {  	[sflag:s11] =	ssyncadd.s32 $0xFFFFFFD8  }
0x2b: {  	[tilespmem:s10], [sflag:$0x1] =	stream.linear.gather [hbm4b:s7+s3], $0x1400, $0x38;
	[tilespmem:$0x14D00] =	vst v63  }
0x2c: {  	_ =	swait.ge [sflag:s11], $0x1400  }
0x2d: {  	[sflag:s11] =	ssyncset.done $0x0  }
0x2e: {  	[sflag:s11] =	ssyncadd.s32 $0xFFFFEC00  }
0x2f: {  	[spmem:s2] =	stream.indirect.scatter.add.f32 [tilespmem:s10], [sflag:$0x1], $0x80, s3, s12, $0xb8;
	[tilespmem:$0x14D00] =	vst v63  }
0x30: {  	s17 =	simm.s32 $0x5;
	_ =	swait.ge [sflag:s11], $0x1400  }
0x31: {  	s18 =	simm.s32 $0xA;
	s16 =	sadd.s32 $0x280, s7;
	[sflag:s11] =	ssyncset.done $0x0  }
.LBB2_6:
0x32: {  	s19 =	sadd.s32 s17, s8  }
0x33: {  	[sflag:s11] =	ssyncadd.s32 $0xFFFFEC00;
	s17 =	smov.u32 s18;
	s20 =	sadd.s32 $0x5, s18  }
0x34: {  	[tilespmem:s3], [sflag:$0x1] =	stream.linear.gather [hbm4b:s19+s3], $0x28, $0x38;
	[tilespmem:$0x14D00] =	vst v63  }
0x35: {  	p1 =	sne.s32 s18, $0x4DD;
	_ =	swait.ge [sflag:s11], $0x28  }
0x36: {  	[sflag:s11] =	ssyncset.done $0x0  }
0x37: {  	[sflag:s11] =	ssyncadd.s32 $0xFFFFFFD8  }
0x38: {  	[tilespmem:s10], [sflag:$0x1] =	stream.linear.gather [hbm4b:s16+s3], $0x1400, $0x38;
	[tilespmem:$0x14D00] =	vst v63  }
0x39: {  	_ =	swait.ge [sflag:s11], $0x1400  }
.Ltmp4:
0x3a: {  	[sflag:s11] =	ssyncset.done $0x0;
	(pc) =	sbr.rel @p1 .LBB2_6-.Ltmp4, $4  }
0x3b: {  	[sflag:s11] =	ssyncadd.s32 $0xFFFFEC00  }
0x3c: {  	[spmem:s2] =	stream.indirect.scatter.add.f32 [tilespmem:s10], [sflag:$0x1], $0x80, s3, s12, $0xb8;
	[tilespmem:$0x14D00] =	vst v63  }
0x3d: {  	_ =	swait.ge [sflag:s11], $0x1400  }
0x3e: {  	s18 =	smov.u32 s20;
	s16 =	sadd.s32 $0x280, s16;
	[sflag:s11] =	ssyncset.done $0x0  }
0x3f: {  	s17 =	sadd.s32 s17, s8;
	[sflag:s11] =	ssyncadd.s32 $0xFFFFEC00  }
0x40: {  	[tilespmem:s3], [sflag:$0x1] =	stream.linear.gather [hbm4b:s17+s3], $0x28, $0x38;
	[tilespmem:$0x14D00] =	vst v63  }
0x41: {  	_ =	swait.ge [sflag:s11], $0x28  }
0x42: {  	[sflag:s11] =	ssyncset.done $0x0  }
0x43: {  	[sflag:s11] =	ssyncadd.s32 $0xFFFFFFD8  }
0x44: {  	[tilespmem:s10], [sflag:$0x1] =	stream.linear.gather [hbm4b:s16+s3], $0x1400, $0x38;
	[tilespmem:$0x14D00] =	vst v63  }
0x45: {  	_ =	swait.ge [sflag:s11], $0x1400  }
0x46: {  	[sflag:s11] =	ssyncset.done $0x0  }
0x47: {  	[sflag:s11] =	ssyncadd.s32 $0xFFFFEC00  }
0x48: {  	[spmem:s2] =	stream.indirect.scatter.add.f32 [tilespmem:s10], [sflag:$0x1], $0x80, s3, s12, $0xb8;
	[tilespmem:$0x14D00] =	vst v63  }
.Ltmp5:
0x49: {  	_ =	swait.ge [sflag:s11], $0x1400;
	(pc) =	sbr.rel @p0 .LBB2_11-.Ltmp5, $3  }
0x4a: {  	[sflag:s11] =	ssyncset.done $0x0  }
0x4b: {  	[sflag:s11] =	ssyncadd.s32 $0xFFFFEC00  }
0x4c: {  	[bflag:$0x0] =	sbarrier.arrive $0xFFFF;
	_ =	sdelay $0x1  }
0x4d: {  	[tilespmem:s10], [sflag:$0x2] =	stream.linear.gather [spmem:s6], $0x1400, $0x38;
	[tilespmem:$0x14D00] =	vst v63  }
0x4e: {  	_ =	swait.ge [sflag:s14], $0x1400  }
0x4f: {  	[sflag:s14] =	ssyncset.done $0x0  }
0x50: {  	s16 =	sadd.s32 $0x0, s9;
	[sflag:s14] =	ssyncadd.s32 $0xFFFFEC00  }
0x51: {  	[hbm4b:s16+s3] =	stream.linear.scatter [tilespmem:s10], [sflag:s13], $0x1400, $0x38;
	[tilespmem:$0x14D00] =	vst v63  }
0x52: {  	_ =	swait.ge [sflag:s13], $0x1400  }
0x53: {  	s17 =	smov.u32 s6;
	s16 =	simm.s32 $0x280;
	[sflag:s13] =	ssyncset.done $0x0  }
.LBB2_9:
0x54: {  	p1 =	sne.s32 s16, $0x3C00;
	[sflag:s13] =	ssyncadd.s32 $0xFFFFEC00;
	s17 =	sadd.s32 $0x1400, s17  }
0x55: {  	[tilespmem:s10], [sflag:$0x2] =	stream.linear.gather [spmem:s17], $0x1400, $0x38;
	[tilespmem:$0x14D00] =	vst v63  }
0x56: {  	s18 =	smov.u32 s16;
	s16 =	sadd.s32 $0x280, s16;
	_ =	swait.ge [sflag:s14], $0x1400  }
.Ltmp6:
0x57: {  	[sflag:s14] =	ssyncset.done $0x0;
	(pc) =	sbr.rel @p1 .LBB2_9-.Ltmp6, $4  }
0x58: {  	s18 =	sadd.s32 s18, s9;
	[sflag:s14] =	ssyncadd.s32 $0xFFFFEC00  }
0x59: {  	[hbm4b:s18+s3] =	stream.linear.scatter [tilespmem:s10], [sflag:s13], $0x1400, $0x38;
	[tilespmem:$0x14D00] =	vst v63  }
0x5a: {  	_ =	swait.ge [sflag:s13], $0x1400  }
0x5b: {  	[sflag:s13] =	ssyncset.done $0x0  }
.Ltmp7:
0x5c: {  	_ = 	snop;
	(pc) =	sbr.rel .LBB2_10-.Ltmp7, $1  }
0x5d: {  	_ =	sdelay $0x3  }
.LBB2_12:
0x5e: {  	_ =	sfence.sel $0x180000  }
0x5f: {  	[bflag:$0x0] =	sbarrier.arrive $0xFFFF  }
0x60: {  	p0 =	sne.s32 s1, $0x0;
	_ =	strace $0x9000004A  }
0x61: {  	s0 =	sadd.s32 @!p0 $0x100000, s0;
	[bflag:$0x2] =	sbarrier.arrive $0xFFFF  }
0x62: {  	[sflag:s0] =	ssyncadd.tile.s32 @!p0 $0x1;
	_ =	shalt  }
.Lfunc_end2:
_tile_overlayer_lowered:
.L_overlay_start_2:
0x63: {  	(tag) =	ssettag $0x2  }
0x64: {  	s0 =	rddreg [dreg:$0x0];
	s2 =	stileid.u32  }
0x65: {  	s1 =	rddreg [dreg:$0x1];
	p0 =	sne.s32 s2, $0x0  }
0x66: {  	s3 =	rddreg [dreg:$0x2];
	[bflag:$0x3] =	sbarrier.arrive $0xFFFF;
	s2 =	simm.s32 @!p0 $0x1C01  }
0x67: {  	[timem:s3], [sflag:s2] =	dma.local @!p0 [hbm:s0], s1  }
0x68: {  	s0 =	simm.s32 @!p0 $0x1  }
0x69: {  	_ =	swait.ge @!p0 [sflag:s0], s1  }
0x6a: {  	s1 =	ssub.s32 @!p0 $0x0, s1;
	[sflag:s0] =	ssyncset.done @!p0 $0x0  }
0x6b: {  	[sflag:s0] =	ssyncadd.s32 @!p0 s1  }
0x6c: {  	[bflag:$0x3] =	sbarrier.arrive $0xFFFF  }
0x6d: {  	_ =	shalt  }

// kernel: kernel.14.cloned.1.call-start
scs
__scs_entry_jumppad:
0x0: {  	(pc) =	sbr.rel $0x88, $3  }
0x1: {  	(tag) =	ssettag $0x0;
	lr =	simm.s32 $0x1  }
0x2: {  	[smem:$0x3F96] =	sst lr;
	_ =	strace $0xD0000000  }
0x3: {  	_ = 	snop  }
0x4: {  	_ = 	snop  }
0x5: {  	_ = 	snop  }
0x6: {  	_ = 	snop  }
0x7: {  	_ = 	snop  }
__scs_overlays_trampoline_lowered:
0x8: {  	[smem:$0x3FA5] =	sst s0  }
0x9: {  	[smem:$0x3FA6] =	sst s1  }
0xa: {  	[smem:$0x3FA7] =	sst s2  }
0xb: {  	[smem:$0x3FA8] =	sst s3  }
0xc: {  	[smem:$0x3FA9] =	sst s4  }
0xd: {  	[smem:$0x3FAA] =	sst s5  }
0xe: {  	[smem:$0x3FAB] =	sst s6  }
0xf: {  	[smem:$0x3FAC] =	sst s7  }
0x10: {  	[smem:$0x3FAD] =	sst s8  }
0x11: {  	[smem:$0x3FAE] =	sst s9;
	s0 =	simm.s32 @!p0 $0x0  }
0x12: {  	s1 =	sld [smem:$0x3F94];
	s0 =	simm.s32 @p0 $0x1  }
0x13: {  	[smem:$0x3FAF] =	sst s0;
	s0 =	simm.s32 @!p1 $0x0  }
0x14: {  	s2 =	sld [smem:$0x3F93];
	s0 =	simm.s32 @p1 $0x1  }
0x15: {  	[smem:$0x3FB0] =	sst s0;
	s0 =	simm.s32 @!p2 $0x0  }
0x16: {  	s3 =	sld [smem:$0x3FDB];
	s0 =	simm.s32 @p2 $0x1  }
0x17: {  	s4 =	simm.s32 $0x1BF5;
	[smem:$0x3FB2] =	sst s0  }
0x18: {  	s0 =	sld [smem:$0x3F95];
	_ =	swait.ge [sflag:s4], $0x0  }
0x19: {  	s7 =	sld [smem:$0x3F96]  }
0x1a: {  	s8 =	sadd.s32 $0xFFFFE003, lr  }
0x1b: {  	s9 =	sadd.s32 $0xFFFFFEF7, lr;
	s5 =	simm.s32 $0xFFFFFFFF;
	p2 =	slt.u32 s8, $0xFFFFF086  }
0x1c: {  	p1 =	slt.u32 s9, $0xF7A;
	s5 =	simm.s32 @!p2 $0x0  }
0x1d: {  	s5 =	simm.s32 @p1 $0x1;
	p0 =	seq.s32 s7, s2  }
0x1e: {  	s7 =	smul.u32 @!p0 $0xF7A, s2;
	p2 =	seq.s32 @!p0 s5, $0x0  }
0x1f: {  	s9 =	smul.u32 $0xF7A, s1;
	s8 =	simm.s32 @!p0 $0x1BF5;
	p2 =	por !p2, p0  }
0x20: {  	[sflag:s8] =	ssyncset.s32 @!p0 $0xFFFFF086;
	s6 =	sadd.s32 @!p0 s3, s7;
	s7 =	simm.s32 @!p0 $0x108  }
0x21: {  	s3 =	sadd.s32 s3, s9;
	s6 =	sadd.s32 @!p0 $0x88, s6;
	s7 =	simm.s32 @p2 $0x1082  }
0x22: {  	[simem:s7], [sflag:s8] =	dma.local @!p0 [hbm:s6], $0xF7A  }
0x23: {  	s9 =	sor.u32 $0xD0000000, s2;
	s6 =	simm.s32 $0x108;
	_ =	swait.ge @!p0 [sflag:s8], $0x0  }
0x24: {  	s3 =	sadd.s32 $0x88, s3;
	s6 =	simm.s32 @!p1 $0x1082;
	[sflag:s4] =	ssyncset.s32 $0xFFFFF086  }
0x25: {  	[simem:s6], [sflag:s4] =	dma.local [hbm:s3], $0xF7A  }
0x26: {  	[smem:$0x3F96] =	sst s1;
	(tag) =	ssettag s2;
	_ =	strace s9  }
0x27: {  	s1 =	sld [smem:$0x3FA6]  }
0x28: {  	s2 =	sld [smem:$0x3FA7]  }
0x29: {  	s4 =	sld [smem:$0x3FA9]  }
0x2a: {  	p0 =	seq.s32 s5, $0x0;
	s5 =	sld [smem:$0x3FAA]  }
0x2b: {  	s6 =	sld [smem:$0x3FAB]  }
0x2c: {  	s7 =	sld [smem:$0x3FAC]  }
0x2d: {  	s3 =	simm.s32 $0x108;
	s8 =	sld [smem:$0x3FAD]  }
0x2e: {  	s3 =	simm.s32 @!p0 $0x1082;
	s9 =	sld [smem:$0x3FAE]  }
0x2f: {  	lr =	sadd.s32 s0, s3;
	s0 =	sld [smem:$0x3FA5]  }
0x30: {  	s3 =	sld [smem:$0x3FA8]  }
0x31: {  	[smem:$0x3FB1] =	sst s10  }
0x32: {  	s10 =	sld [smem:$0x3FAF];
	_ =	sdelay $0x3  }
0x33: {  	p0 =	seq.s32 s10, $0x1;
	s10 =	sld [smem:$0x3FB1];
	_ =	sdelay $0x3  }
0x34: {  	[smem:$0x3FB1] =	sst s10  }
0x35: {  	s10 =	sld [smem:$0x3FB0];
	_ =	sdelay $0x3  }
0x36: {  	p1 =	seq.s32 s10, $0x1;
	s10 =	sld [smem:$0x3FB1];
	_ =	sdelay $0x3  }
0x37: {  	[smem:$0x3FB1] =	sst s10  }
0x38: {  	s10 =	sld [smem:$0x3FB2]  }
0x39: {  	_ = 	snop;
	(pc) =	sbr.ind lr, $3  }
0x3a: {  	_ = 	snop  }
0x3b: {  	_ = 	snop  }
0x3c: {  	p2 =	seq.s32 s10, $0x1;
	s10 =	sld [smem:$0x3FB1]  }
0x3d: {  	_ =	shalt  }
0x3e: {  	_ =	shalt  }
0x3f: {  	_ =	shalt  }
0x40: {  	_ =	shalt  }
0x41: {  	_ =	shalt  }
0x42: {  	_ =	shalt  }
0x43: {  	_ =	shalt  }
0x44: {  	_ =	shalt  }
0x45: {  	_ =	shalt  }
0x46: {  	_ =	shalt  }
0x47: {  	_ =	shalt  }
0x48: {  	_ =	shalt  }
0x49: {  	_ =	shalt  }
0x4a: {  	_ =	shalt  }
0x4b: {  	_ =	shalt  }
0x4c: {  	_ =	shalt  }
0x4d: {  	_ =	shalt  }
0x4e: {  	_ =	shalt  }
0x4f: {  	_ =	shalt  }
0x50: {  	_ =	shalt  }
0x51: {  	_ =	shalt  }
0x52: {  	_ =	shalt  }
0x53: {  	_ =	shalt  }
0x54: {  	_ =	shalt  }
0x55: {  	_ =	shalt  }
0x56: {  	_ =	shalt  }
0x57: {  	_ =	shalt  }
0x58: {  	_ =	shalt  }
0x59: {  	_ =	shalt  }
0x5a: {  	_ =	shalt  }
0x5b: {  	_ =	shalt  }
0x5c: {  	_ =	shalt  }
0x5d: {  	_ =	shalt  }
0x5e: {  	_ =	shalt  }
0x5f: {  	_ =	shalt  }
0x60: {  	_ =	shalt  }
0x61: {  	_ =	shalt  }
0x62: {  	_ =	shalt  }
0x63: {  	_ =	shalt  }
0x64: {  	_ =	shalt  }
0x65: {  	_ =	shalt  }
0x66: {  	_ =	shalt  }
0x67: {  	_ =	shalt  }
0x68: {  	_ =	shalt  }
0x69: {  	_ =	shalt  }
0x6a: {  	_ =	shalt  }
0x6b: {  	_ =	shalt  }
0x6c: {  	_ =	shalt  }
0x6d: {  	_ =	shalt  }
0x6e: {  	_ =	shalt  }
0x6f: {  	_ =	shalt  }
0x70: {  	_ =	shalt  }
0x71: {  	_ =	shalt  }
0x72: {  	_ =	shalt  }
0x73: {  	_ =	shalt  }
0x74: {  	_ =	shalt  }
0x75: {  	_ =	shalt  }
0x76: {  	_ =	shalt  }
0x77: {  	_ =	shalt  }
0x78: {  	_ =	shalt  }
0x79: {  	_ =	shalt  }
0x7a: {  	_ =	shalt  }
0x7b: {  	_ =	shalt  }
0x7c: {  	_ =	shalt  }
0x7d: {  	_ =	shalt  }
0x7e: {  	_ =	shalt  }
0x7f: {  	_ =	shalt  }
0x80: {  	_ =	shalt  }
0x81: {  	_ =	shalt  }
0x82: {  	_ =	shalt  }
0x83: {  	_ =	shalt  }
0x84: {  	_ =	shalt  }
0x85: {  	_ =	shalt  }
0x86: {  	_ =	shalt  }
0x87: {  	_ =	shalt  }
.Lfunc_end0:
.L_simem_size_0:
called_computation.2_lowered:
.L_overlay_start_0:
0x88: {  	s2 =	sld [smem:$0x3FD9]  }
0x89: {  	s3 =	sld [smem:$0x3FFE];
	_ =	sdelay $0x1  }
0x8a: {  	s1 =	srdreg.scid  }
0x8b: {  	s0 =	sand.u32 $0x1, s1  }
0x8c: {  	s17 =	sshll.u32 s0, $0xA;
	s2 =	sadd.s32 s3, s2  }
0x8d: {  	s2 =	sadd.s32 s2, s17  }
0x8e: {  	[smem:$0x3FBD] =	sst s2  }
0x8f: {  	_ = 	snop  }
0x90: {  	s18 =	sld [smem:$0x3FD0];
	(tm) =	ssettm $0x1  }
0x91: {  	s19 =	sld [smem:$0x3FFB];
	_ =	sdelay $0x3  }
0x92: {  	_ =	strace s19  }
0x93: {  	s2 =	sld [smem:$0x3FFC];
	_ =	sdelay $0x3  }
0x94: {  	_ =	strace s2  }
0x95: {  	s2 =	sld [smem:$0x3FFD];
	_ =	sdelay $0x3  }
0x96: {  	_ =	strace s2  }
0x97: {  	_ =	strace $0x8FFFFFFF  }
0x98: {  	s20 =	sld [smem:$0x3FDB];
	_ =	sdelay $0x1  }
0x99: {  	s4 =	simm.s32 $_scs_section_size  }
0x9a: {  	s5 =	simm.s32 $_size__tile_overlayer_lowered;
	s6 =	simm.s32 $_tile_overlayer_lowered  }
0x9b: {  	s7 =	simm.s32 $0x1BFF;
	s21 =	sshll.u32 s6, $0x1;
	s4 =	sadd.s32 s4, s20  }
0x9c: {  	s22 =	simm.s32 $0x0;
	s5 =	sshll.u32 s5, $0x1;
	s6 =	sadd.s32 s21, s4  }
0x9d: {  	[timem:s22], [sflag:s7] =	dma.local [hbm:s6], s5  }
0x9e: {  	_ =	swait.ge [sflag:s7], s5  }
0x9f: {  	s5 =	ssub.s32 $0x0, s5;
	[sflag:s7] =	ssyncset.done $0x0  }
0xa0: {  	[sflag:s7] =	ssyncadd.s32 s5;
	_ =	sdelay $0x1  }
0xa1: {  	s23 =	simm.s32 $0x1B8B  }
0xa2: {  	_ =	swait.ge [sflag:s23], $0x1  }
0xa3: {  	[sflag:s23] =	ssyncset.done $0x0  }
0xa4: {  	[sflag:s23] =	ssyncadd.s32 $0xFFFFFFFF  }
0xa5: {  	s5 =	sld [smem:$0x0]  }
0xa6: {  	s6 =	sand.u32 $0xFFFFFFFE, s1  }
0xa7: {  	p0 =	sne.s32 s1, s6  }
0xa8: {  	s6 =	sshll.u32 @p0 s6, $0xE  }
0xa9: {  	s6 =	sadd.s32 @p0 $0x11B8D, s6;
	s7 =	sshll.u32 @p0 s5, $0x11  }
0xaa: {  	s6 =	sor.u32 @p0 s7, s6  }
0xab: {  	[sflag:s6] =	ssyncadd.remote.s32 @p0 $0x1;
	_ =	sdelay $0x1  }
0xac: {  	s6 =	simm.s32 @p0 $0x1B8D  }
0xad: {  	_ =	swait.eq @p0 [sflag:s6], $0x1  }
0xae: {  	[sflag:s6] =	ssyncadd.s32 @p0 $0xFFFFFFFF  }
0xaf: {  	s7 =	sshll.u32 @!p0 s1, $0xE  }
0xb0: {  	s7 =	sor.u32 @!p0 $0x4000, s7;
	s6 =	simm.s32 @!p0 $0x1B8D  }
0xb1: {  	s5 =	sshll.u32 @!p0 s5, $0x11;
	s7 =	sadd.s32 @!p0 $0x11B8D, s7;
	_ =	swait.eq @!p0 [sflag:s6], $0x1  }
0xb2: {  	s5 =	sor.u32 @!p0 s5, s7;
	[sflag:s6] =	ssyncadd.s32 @!p0 $0xFFFFFFFF  }
0xb3: {  	s25 =	simm.s32 $0x1B8E;
	s24 =	sld [smem:$0x3FFE];
	[sflag:s5] =	ssyncadd.remote.s32 @!p0 $0x1  }
0xb4: {  	s26 =	simm.s32 $execute0_lowered;
	[smem:$0x3FD2] =	sst s25  }
0xb5: {  	s6 =	sshll.u32 s26, $0x1;
	_ =	strace $0x8000004C;
	[dreg:$0x1] =	wrdreg $0xFFFFFFFF  }
0xb6: {  	s28 =	simm.s32 $_size_execute0_lowered;
	s4 =	sadd.s32 s4, s6;
	[dreg:$0x0] =	wrdreg $0x0  }
0xb7: {  	s6 =	sshll.u32 s28, $0x1;
	[dreg:$0x2] =	wrdreg s4  }
0xb8: {  	[dreg:$0x3] =	wrdreg s6  }
0xb9: {  	[dreg:$0x4] =	wrdreg $0xC0  }
0xba: {  	_ =	task [dreg:s22], $0x5FFFF  }
0xbb: {  	[dreg:$0x1] =	wrdreg $0xFFFFFFFF  }
0xbc: {  	[dreg:$0x0] =	wrdreg $0x60  }
0xbd: {  	[dreg:$0x2] =	wrdreg s24  }
0xbe: {  	[dreg:$0x3] =	wrdreg s18  }
0xbf: {  	[dreg:$0x4] =	wrdreg $0x14800  }
0xc0: {  	[dreg:$0x5] =	wrdreg $0xA  }
0xc1: {  	_ =	task.clear_ibuf [dreg:s22], $0x6FFFF;
	_ =	strace $0x9000004C  }
0xc2: {  	s29 =	simm.s32 $0xA;
	_ =	strace $0x8000004E  }
0xc3: {  	_ =	swait.ge [sflag:s29], $0x1  }
0xc4: {  	[sflag:s29] =	ssyncadd.s32 $0xFFFFFFFF  }
0xc5: {  	_ =	strace $0x9000004E  }
0xc6: {  	_ =	sfence  }
0xc7: {  	s30 =	sld [smem:$0x0];
	_ =	sdelay $0x2  }
0xc8: {  	s31 =	sshll.u32 s1, $0xD;
	s1 =	sshrl.u32 s1, $0x2  }
0xc9: {  	s4 =	sand.u32 $0x4000, s31;
	s1 =	sadd.s32 s1, s30  }
0xca: {  	s0 =	sor.u32 s4, s0;
	s1 =	sshll.u32 s1, $0x11  }
0xcb: {  	s0 =	sor.u32 s1, s0  }
0xcc: {  	s0 =	sadd.s32 $0x8F2B, s0  }
0xcd: {  	[sflag:s0] =	ssyncadd.remote.s32 $0x1  }
0xce: {  	_ =	sfence.sel $0xFFFF  }
0xcf: {  	[dreg:$0x0] =	wrdreg $0xFFFFFFFF;
	(pc) =	sbr.abs _section_cstart, $3  }
0xd0: {  	[dreg:$0x1] =	wrdreg $0xFFFFFFFF  }
0xd1: {  	_ =	task.clear_ibuf [dreg:s22], $0x2FFFF;
	_ =	strace $0x9FFFFFFF  }
0xd2: {  	(tm) =	ssettm $0x7FFFFFFF  }
0xd3: {  	_ =	shalt  }
tec
execute0_lowered:
.L_overlay_start_1:
0x0: {  	(tag) =	ssettag $0x1  }
0x1: {  	s4 =	rddreg [dreg:$0x0]  }
0x2: {  	s0 =	srdreg.scid;
	s6 =	rddreg [dreg:$0x1]  }
0x3: {  	s2 =	rddreg [dreg:$0x2];
	s5 =	sand.u32 $0x1, s0  }
0x4: {  	s0 =	stileid.u32;
	s7 =	smul.u32 $0x13880, s5  }
0x5: {  	s1 =	rddreg [dreg:$0x3];
	s3 =	simm.s32 $0x0;
	s8 =	smul.u32 $0x1388, s0  }
0x6: {  	s13 =	simm.s32 $0x2;
	s14 =	simm.s32 $0x2;
	s9 =	smul.u32 $0x138800, s5  }
0x7: {  	s15 =	simm.s32 $0x0;
	[smem:$0x7FF] =	sst s3;
	s12 =	smul.u32 $0x7D000, s0  }
0x8: {  	s10 =	sadd.s32 $0x5B400, s4;
	_ =	strace $0x8000004D;
	s28 =	smul.u32 $0x13880, s0  }
0x9: {  	s26 =	ssub.s32 $0x2, s5;
	p1 =	seq.s32 s5, $0x0;
	s31 =	smul.u32 $0x3E80, s0  }
0xa: {  	p0 =	sgt.u32 s0, $0x9;
	s11 =	sshrl.u32 s26, $0x1;
	s10 =	smov.u32 @p1 s6  }
0xb: {  	s13 =	simm.s32 @!p1 $0x1;
	s7 =	sadd.s32 s8, s7;
	s24 =	sadd.s32 s9, s4  }
.Ltmp0:
0xc: {  	s29 =	sshrl.u32 s12, $0x2;
	s9 =	sadd.s32 s31, s10;
	(pc) =	sbr.rel .LBB2_1-.Ltmp0, $4  }
0xd: {  	s10 =	simm.s32 $0x80;
	s12 =	simm.s32 $0x28;
	s7 =	sshrl.u32 s7, $0x3  }
0xe: {  	s30 =	sadd.s32 s28, s24;
	s6 =	sadd.s32 s29, s2;
	s25 =	sadd.s32 s7, s4  }
0xf: {  	s7 =	ssub.s32 s26, s11;
	s4 =	sadd.s32 $0x3000, s4;
	s11 =	simm.s32 $0x1  }
0x10: {  	s5 =	smax.u32 s7, $0x1;
	s7 =	sadd.s32 $0x1172200, s30;
	s8 =	sadd.s32 $0x8000, s25  }
.LBB2_10:
0x11: {  	[sflag:s13] =	ssyncadd.s32 $0xFFFFEC00  }
.LBB2_11:
0x12: {  	s15 =	sadd.s32 $0x1, s15  }
0x13: {  	p1 =	sne.s32 s15, s5  }
.Ltmp1:
0x14: {  	_ = 	snop;
	(pc) =	sbr.rel @!p1 .LBB2_12-.Ltmp1, $1  }
0x15: {  	_ =	sdelay $0x3  }
.LBB2_1:
.Ltmp2:
0x16: {  	(pc) =	sbr.rel @p0 .LBB2_5-.Ltmp2, $1  }
0x17: {  	_ =	sdelay $0x3  }
0x18: {  	s16 =	simm.s32 $0x0  }
0x19: {  	[tilespmem:s10], [sflag:$0x1] =	stream.linear.gather [hbm4b:s4+s16], $0x1400, $0x38;
	[tilespmem:$0x14D00] =	vst v63  }
0x1a: {  	_ =	swait.ge [sflag:s11], $0x1400  }
0x1b: {  	[sflag:s11] =	ssyncset.done $0x0  }
0x1c: {  	s31 =	sadd.s32 $0x0, s6;
	[sflag:s11] =	ssyncadd.s32 $0xFFFFEC00  }
0x1d: {  	[spmem:s31] =	stream.linear.scatter [tilespmem:s10], [sflag:$0x1], $0x1400, $0x38;
	[tilespmem:$0x14D00] =	vst v63  }
0x1e: {  	s16 =	simm.s32 $0x5000;
	_ =	swait.ge [sflag:s11], $0x1400  }
.LBB2_3:
0x1f: {  	s17 =	sshra.s32 s16, $0x2;
	[sflag:s11] =	ssyncset.done $0x0;
	p1 =	sne.s32 s16, $0x78000  }
.Ltmp3:
0x20: {  	s17 =	sadd.s32 s17, s6;
	[sflag:s11] =	ssyncadd.s32 $0xFFFFEC00;
	(pc) =	sbr.rel @p1 .LBB2_3-.Ltmp3, $3  }
0x21: {  	[spmem:s17] =	stream.linear.scatter [tilespmem:s10], [sflag:$0x1], $0x1400, $0x38;
	[tilespmem:$0x14D00] =	vst v63  }
0x22: {  	s16 =	sadd.s32 $0x5000, s16;
	_ =	sdelay $0x1  }
0x23: {  	_ =	swait.ge [sflag:s11], $0x1400  }
0x24: {  	[sflag:s11] =	ssyncset.done $0x0  }
0x25: {  	[sflag:s11] =	ssyncadd.s32 $0xFFFFEC00  }
.LBB2_5:
0x26: {  	[bflag:$0x0] =	sbarrier.arrive $0xFFFF;
	s16 =	sadd.s32 $0x0, s8  }
0x27: {  	[tilespmem:s3], [sflag:$0x1] =	stream.linear.gather [hbm4b:s16+s3], $0x28, $0x38;
	[tilespmem:$0x14D00] =	vst v63  }
0x28: {  	_ =	swait.ge [sflag:s11], $0x28  }
0x29: {  	[sflag:s11] =	ssyncset.done $0x0  }
0x2a: {  	[sflag:s11] =	ssyncadd.s32 $0xFFFFFFD8  }
0x2b: {  	[tilespmem:s10], [sflag:$0x1] =	stream.linear.gather [hbm4b:s7+s3], $0x1400, $0x38;
	[tilespmem:$0x14D00] =	vst v63  }
0x2c: {  	_ =	swait.ge [sflag:s11], $0x1400  }
0x2d: {  	[sflag:s11] =	ssyncset.done $0x0  }
0x2e: {  	[sflag:s11] =	ssyncadd.s32 $0xFFFFEC00  }
0x2f: {  	[spmem:s2] =	stream.indirect.scatter.add.f32 [tilespmem:s10], [sflag:$0x1], $0x80, s3, s12, $0xb8;
	[tilespmem:$0x14D00] =	vst v63  }
0x30: {  	s17 =	simm.s32 $0x5;
	_ =	swait.ge [sflag:s11], $0x1400  }
0x31: {  	s18 =	simm.s32 $0xA;
	s16 =	sadd.s32 $0x280, s7;
	[sflag:s11] =	ssyncset.done $0x0  }
.LBB2_6:
0x32: {  	s19 =	sadd.s32 s17, s8  }
0x33: {  	[sflag:s11] =	ssyncadd.s32 $0xFFFFEC00;
	s17 =	smov.u32 s18;
	s20 =	sadd.s32 $0x5, s18  }
0x34: {  	[tilespmem:s3], [sflag:$0x1] =	stream.linear.gather [hbm4b:s19+s3], $0x28, $0x38;
	[tilespmem:$0x14D00] =	vst v63  }
0x35: {  	p1 =	sne.s32 s18, $0x26C;
	_ =	swait.ge [sflag:s11], $0x28  }
0x36: {  	[sflag:s11] =	ssyncset.done $0x0  }
0x37: {  	[sflag:s11] =	ssyncadd.s32 $0xFFFFFFD8  }
0x38: {  	[tilespmem:s10], [sflag:$0x1] =	stream.linear.gather [hbm4b:s16+s3], $0x1400, $0x38;
	[tilespmem:$0x14D00] =	vst v63  }
0x39: {  	_ =	swait.ge [sflag:s11], $0x1400  }
.Ltmp4:
0x3a: {  	[sflag:s11] =	ssyncset.done $0x0;
	(pc) =	sbr.rel @p1 .LBB2_6-.Ltmp4, $4  }
0x3b: {  	[sflag:s11] =	ssyncadd.s32 $0xFFFFEC00  }
0x3c: {  	[spmem:s2] =	stream.indirect.scatter.add.f32 [tilespmem:s10], [sflag:$0x1], $0x80, s3, s12, $0xb8;
	[tilespmem:$0x14D00] =	vst v63  }
0x3d: {  	_ =	swait.ge [sflag:s11], $0x1400  }
0x3e: {  	s18 =	smov.u32 s20;
	s16 =	sadd.s32 $0x280, s16;
	[sflag:s11] =	ssyncset.done $0x0  }
0x3f: {  	s17 =	sadd.s32 s17, s8;
	[sflag:s11] =	ssyncadd.s32 $0xFFFFEC00  }
0x40: {  	[tilespmem:s3], [sflag:$0x1] =	stream.linear.gather [hbm4b:s17+s3], $0x28, $0x38;
	[tilespmem:$0x14D00] =	vst v63  }
0x41: {  	_ =	swait.ge [sflag:s11], $0x28  }
0x42: {  	[sflag:s11] =	ssyncset.done $0x0  }
0x43: {  	[sflag:s11] =	ssyncadd.s32 $0xFFFFFFD8  }
0x44: {  	[tilespmem:s10], [sflag:$0x1] =	stream.linear.gather [hbm4b:s16+s3], $0x1400, $0x38;
	[tilespmem:$0x14D00] =	vst v63  }
0x45: {  	_ =	swait.ge [sflag:s11], $0x1400  }
0x46: {  	[sflag:s11] =	ssyncset.done $0x0  }
0x47: {  	[sflag:s11] =	ssyncadd.s32 $0xFFFFEC00  }
0x48: {  	[spmem:s2] =	stream.indirect.scatter.add.f32 [tilespmem:s10], [sflag:$0x1], $0x80, s3, s12, $0xb8;
	[tilespmem:$0x14D00] =	vst v63  }
.Ltmp5:
0x49: {  	_ =	swait.ge [sflag:s11], $0x1400;
	(pc) =	sbr.rel @p0 .LBB2_11-.Ltmp5, $3  }
0x4a: {  	[sflag:s11] =	ssyncset.done $0x0  }
0x4b: {  	[sflag:s11] =	ssyncadd.s32 $0xFFFFEC00  }
0x4c: {  	[bflag:$0x0] =	sbarrier.arrive $0xFFFF;
	_ =	sdelay $0x1  }
0x4d: {  	[tilespmem:s10], [sflag:$0x2] =	stream.linear.gather [spmem:s6], $0x1400, $0x38;
	[tilespmem:$0x14D00] =	vst v63  }
0x4e: {  	_ =	swait.ge [sflag:s14], $0x1400  }
0x4f: {  	[sflag:s14] =	ssyncset.done $0x0  }
0x50: {  	s16 =	sadd.s32 $0x0, s9;
	[sflag:s14] =	ssyncadd.s32 $0xFFFFEC00  }
0x51: {  	[hbm4b:s16+s3] =	stream.linear.scatter [tilespmem:s10], [sflag:s13], $0x1400, $0x38;
	[tilespmem:$0x14D00] =	vst v63  }
0x52: {  	_ =	swait.ge [sflag:s13], $0x1400  }
0x53: {  	s17 =	smov.u32 s6;
	s16 =	simm.s32 $0x280;
	[sflag:s13] =	ssyncset.done $0x0  }
.LBB2_9:
0x54: {  	p1 =	sne.s32 s16, $0x3C00;
	[sflag:s13] =	ssyncadd.s32 $0xFFFFEC00;
	s17 =	sadd.s32 $0x1400, s17  }
0x55: {  	[tilespmem:s10], [sflag:$0x2] =	stream.linear.gather [spmem:s17], $0x1400, $0x38;
	[tilespmem:$0x14D00] =	vst v63  }
0x56: {  	s18 =	smov.u32 s16;
	s16 =	sadd.s32 $0x280, s16;
	_ =	swait.ge [sflag:s14], $0x1400  }
.Ltmp6:
0x57: {  	[sflag:s14] =	ssyncset.done $0x0;
	(pc) =	sbr.rel @p1 .LBB2_9-.Ltmp6, $4  }
0x58: {  	s18 =	sadd.s32 s18, s9;
	[sflag:s14] =	ssyncadd.s32 $0xFFFFEC00  }
0x59: {  	[hbm4b:s18+s3] =	stream.linear.scatter [tilespmem:s10], [sflag:s13], $0x1400, $0x38;
	[tilespmem:$0x14D00] =	vst v63  }
0x5a: {  	_ =	swait.ge [sflag:s13], $0x1400  }
0x5b: {  	[sflag:s13] =	ssyncset.done $0x0  }
.Ltmp7:
0x5c: {  	_ = 	snop;
	(pc) =	sbr.rel .LBB2_10-.Ltmp7, $1  }
0x5d: {  	_ =	sdelay $0x3  }
.LBB2_12:
0x5e: {  	_ =	sfence.sel $0x180000  }
0x5f: {  	[bflag:$0x0] =	sbarrier.arrive $0xFFFF  }
0x60: {  	p0 =	sne.s32 s0, $0x0;
	_ =	strace $0x9000004D  }
0x61: {  	s0 =	sadd.s32 @!p0 $0x100000, s1;
	[bflag:$0x2] =	sbarrier.arrive $0xFFFF  }
0x62: {  	[sflag:s0] =	ssyncadd.tile.s32 @!p0 $0x1;
	_ =	shalt  }
.Lfunc_end2:
_tile_overlayer_lowered:
.L_overlay_start_2:
0x63: {  	(tag) =	ssettag $0x2  }
0x64: {  	s0 =	rddreg [dreg:$0x0];
	s2 =	stileid.u32  }
0x65: {  	s1 =	rddreg [dreg:$0x1];
	p0 =	sne.s32 s2, $0x0  }
0x66: {  	s3 =	rddreg [dreg:$0x2];
	[bflag:$0x3] =	sbarrier.arrive $0xFFFF;
	s2 =	simm.s32 @!p0 $0x1C01  }
0x67: {  	[timem:s3], [sflag:s2] =	dma.local @!p0 [hbm:s0], s1  }
0x68: {  	s0 =	simm.s32 @!p0 $0x1  }
0x69: {  	_ =	swait.ge @!p0 [sflag:s0], s1  }
0x6a: {  	s1 =	ssub.s32 @!p0 $0x0, s1;
	[sflag:s0] =	ssyncset.done @!p0 $0x0  }
0x6b: {  	[sflag:s0] =	ssyncadd.s32 @!p0 s1  }
0x6c: {  	[bflag:$0x3] =	sbarrier.arrive $0xFFFF  }
0x6d: {  	_ =	shalt  }

// kernel: kernel.8.cloned.1.call-start
scs
__scs_entry_jumppad:
0x0: {  	(pc) =	sbr.rel $0x88, $3  }
0x1: {  	(tag) =	ssettag $0x0;
	lr =	simm.s32 $0x1  }
0x2: {  	[smem:$0x3F96] =	sst lr;
	_ =	strace $0xD0000000  }
0x3: {  	_ = 	snop  }
0x4: {  	_ = 	snop  }
0x5: {  	_ = 	snop  }
0x6: {  	_ = 	snop  }
0x7: {  	_ = 	snop  }
__scs_overlays_trampoline_lowered:
0x8: {  	[smem:$0x3FA5] =	sst s0  }
0x9: {  	[smem:$0x3FA6] =	sst s1  }
0xa: {  	[smem:$0x3FA7] =	sst s2  }
0xb: {  	[smem:$0x3FA8] =	sst s3  }
0xc: {  	[smem:$0x3FA9] =	sst s4  }
0xd: {  	[smem:$0x3FAA] =	sst s5  }
0xe: {  	[smem:$0x3FAB] =	sst s6  }
0xf: {  	[smem:$0x3FAC] =	sst s7  }
0x10: {  	[smem:$0x3FAD] =	sst s8  }
0x11: {  	[smem:$0x3FAE] =	sst s9;
	s0 =	simm.s32 @!p0 $0x0  }
0x12: {  	s1 =	sld [smem:$0x3F94];
	s0 =	simm.s32 @p0 $0x1  }
0x13: {  	[smem:$0x3FAF] =	sst s0;
	s0 =	simm.s32 @!p1 $0x0  }
0x14: {  	s2 =	sld [smem:$0x3F93];
	s0 =	simm.s32 @p1 $0x1  }
0x15: {  	[smem:$0x3FB0] =	sst s0;
	s0 =	simm.s32 @!p2 $0x0  }
0x16: {  	s3 =	sld [smem:$0x3FDB];
	s0 =	simm.s32 @p2 $0x1  }
0x17: {  	s4 =	simm.s32 $0x1BF5;
	[smem:$0x3FB2] =	sst s0  }
0x18: {  	s0 =	sld [smem:$0x3F95];
	_ =	swait.ge [sflag:s4], $0x0  }
0x19: {  	s7 =	sld [smem:$0x3F96]  }
0x1a: {  	s8 =	sadd.s32 $0xFFFFE003, lr  }
0x1b: {  	s9 =	sadd.s32 $0xFFFFFEF7, lr;
	s5 =	simm.s32 $0xFFFFFFFF;
	p2 =	slt.u32 s8, $0xFFFFF086  }
0x1c: {  	p1 =	slt.u32 s9, $0xF7A;
	s5 =	simm.s32 @!p2 $0x0  }
0x1d: {  	s5 =	simm.s32 @p1 $0x1;
	p0 =	seq.s32 s7, s2  }
0x1e: {  	s7 =	smul.u32 @!p0 $0xF7A, s2;
	p2 =	seq.s32 @!p0 s5, $0x0  }
0x1f: {  	s9 =	smul.u32 $0xF7A, s1;
	s8 =	simm.s32 @!p0 $0x1BF5;
	p2 =	por !p2, p0  }
0x20: {  	[sflag:s8] =	ssyncset.s32 @!p0 $0xFFFFF086;
	s6 =	sadd.s32 @!p0 s3, s7;
	s7 =	simm.s32 @!p0 $0x108  }
0x21: {  	s3 =	sadd.s32 s3, s9;
	s6 =	sadd.s32 @!p0 $0x88, s6;
	s7 =	simm.s32 @p2 $0x1082  }
0x22: {  	[simem:s7], [sflag:s8] =	dma.local @!p0 [hbm:s6], $0xF7A  }
0x23: {  	s9 =	sor.u32 $0xD0000000, s2;
	s6 =	simm.s32 $0x108;
	_ =	swait.ge @!p0 [sflag:s8], $0x0  }
0x24: {  	s3 =	sadd.s32 $0x88, s3;
	s6 =	simm.s32 @!p1 $0x1082;
	[sflag:s4] =	ssyncset.s32 $0xFFFFF086  }
0x25: {  	[simem:s6], [sflag:s4] =	dma.local [hbm:s3], $0xF7A  }
0x26: {  	[smem:$0x3F96] =	sst s1;
	(tag) =	ssettag s2;
	_ =	strace s9  }
0x27: {  	s1 =	sld [smem:$0x3FA6]  }
0x28: {  	s2 =	sld [smem:$0x3FA7]  }
0x29: {  	s4 =	sld [smem:$0x3FA9]  }
0x2a: {  	p0 =	seq.s32 s5, $0x0;
	s5 =	sld [smem:$0x3FAA]  }
0x2b: {  	s6 =	sld [smem:$0x3FAB]  }
0x2c: {  	s7 =	sld [smem:$0x3FAC]  }
0x2d: {  	s3 =	simm.s32 $0x108;
	s8 =	sld [smem:$0x3FAD]  }
0x2e: {  	s3 =	simm.s32 @!p0 $0x1082;
	s9 =	sld [smem:$0x3FAE]  }
0x2f: {  	lr =	sadd.s32 s0, s3;
	s0 =	sld [smem:$0x3FA5]  }
0x30: {  	s3 =	sld [smem:$0x3FA8]  }
0x31: {  	[smem:$0x3FB1] =	sst s10  }
0x32: {  	s10 =	sld [smem:$0x3FAF];
	_ =	sdelay $0x3  }
0x33: {  	p0 =	seq.s32 s10, $0x1;
	s10 =	sld [smem:$0x3FB1];
	_ =	sdelay $0x3  }
0x34: {  	[smem:$0x3FB1] =	sst s10  }
0x35: {  	s10 =	sld [smem:$0x3FB0];
	_ =	sdelay $0x3  }
0x36: {  	p1 =	seq.s32 s10, $0x1;
	s10 =	sld [smem:$0x3FB1];
	_ =	sdelay $0x3  }
0x37: {  	[smem:$0x3FB1] =	sst s10  }
0x38: {  	s10 =	sld [smem:$0x3FB2]  }
0x39: {  	_ = 	snop;
	(pc) =	sbr.ind lr, $3  }
0x3a: {  	_ = 	snop  }
0x3b: {  	_ = 	snop  }
0x3c: {  	p2 =	seq.s32 s10, $0x1;
	s10 =	sld [smem:$0x3FB1]  }
0x3d: {  	_ =	shalt  }
0x3e: {  	_ =	shalt  }
0x3f: {  	_ =	shalt  }
0x40: {  	_ =	shalt  }
0x41: {  	_ =	shalt  }
0x42: {  	_ =	shalt  }
0x43: {  	_ =	shalt  }
0x44: {  	_ =	shalt  }
0x45: {  	_ =	shalt  }
0x46: {  	_ =	shalt  }
0x47: {  	_ =	shalt  }
0x48: {  	_ =	shalt  }
0x49: {  	_ =	shalt  }
0x4a: {  	_ =	shalt  }
0x4b: {  	_ =	shalt  }
0x4c: {  	_ =	shalt  }
0x4d: {  	_ =	shalt  }
0x4e: {  	_ =	shalt  }
0x4f: {  	_ =	shalt  }
0x50: {  	_ =	shalt  }
0x51: {  	_ =	shalt  }
0x52: {  	_ =	shalt  }
0x53: {  	_ =	shalt  }
0x54: {  	_ =	shalt  }
0x55: {  	_ =	shalt  }
0x56: {  	_ =	shalt  }
0x57: {  	_ =	shalt  }
0x58: {  	_ =	shalt  }
0x59: {  	_ =	shalt  }
0x5a: {  	_ =	shalt  }
0x5b: {  	_ =	shalt  }
0x5c: {  	_ =	shalt  }
0x5d: {  	_ =	shalt  }
0x5e: {  	_ =	shalt  }
0x5f: {  	_ =	shalt  }
0x60: {  	_ =	shalt  }
0x61: {  	_ =	shalt  }
0x62: {  	_ =	shalt  }
0x63: {  	_ =	shalt  }
0x64: {  	_ =	shalt  }
0x65: {  	_ =	shalt  }
0x66: {  	_ =	shalt  }
0x67: {  	_ =	shalt  }
0x68: {  	_ =	shalt  }
0x69: {  	_ =	shalt  }
0x6a: {  	_ =	shalt  }
0x6b: {  	_ =	shalt  }
0x6c: {  	_ =	shalt  }
0x6d: {  	_ =	shalt  }
0x6e: {  	_ =	shalt  }
0x6f: {  	_ =	shalt  }
0x70: {  	_ =	shalt  }
0x71: {  	_ =	shalt  }
0x72: {  	_ =	shalt  }
0x73: {  	_ =	shalt  }
0x74: {  	_ =	shalt  }
0x75: {  	_ =	shalt  }
0x76: {  	_ =	shalt  }
0x77: {  	_ =	shalt  }
0x78: {  	_ =	shalt  }
0x79: {  	_ =	shalt  }
0x7a: {  	_ =	shalt  }
0x7b: {  	_ =	shalt  }
0x7c: {  	_ =	shalt  }
0x7d: {  	_ =	shalt  }
0x7e: {  	_ =	shalt  }
0x7f: {  	_ =	shalt  }
0x80: {  	_ =	shalt  }
0x81: {  	_ =	shalt  }
0x82: {  	_ =	shalt  }
0x83: {  	_ =	shalt  }
0x84: {  	_ =	shalt  }
0x85: {  	_ =	shalt  }
0x86: {  	_ =	shalt  }
0x87: {  	_ =	shalt  }
.Lfunc_end0:
.L_simem_size_0:
called_computation_lowered:
.L_overlay_start_0:
0x88: {  	s2 =	sld [smem:$0x3FD9]  }
0x89: {  	s3 =	sld [smem:$0x3FFE];
	_ =	sdelay $0x1  }
0x8a: {  	s1 =	srdreg.scid  }
0x8b: {  	s0 =	sand.u32 $0x1, s1  }
0x8c: {  	s17 =	sshll.u32 s0, $0xA;
	s2 =	sadd.s32 s3, s2  }
0x8d: {  	s2 =	sadd.s32 s2, s17  }
0x8e: {  	[smem:$0x3FBD] =	sst s2  }
0x8f: {  	_ = 	snop  }
0x90: {  	s2 =	sld [smem:$0x3FD0];
	(tm) =	ssettm $0x1  }
0x91: {  	s18 =	sld [smem:$0x3FFB];
	_ =	sdelay $0x3  }
0x92: {  	_ =	strace s18  }
0x93: {  	s3 =	sld [smem:$0x3FFC];
	_ =	sdelay $0x3  }
0x94: {  	_ =	strace s3  }
0x95: {  	s3 =	sld [smem:$0x3FFD];
	_ =	sdelay $0x3  }
0x96: {  	_ =	strace s3  }
0x97: {  	_ =	strace $0x8FFFFFFF  }
0x98: {  	s19 =	sld [smem:$0x3FDB];
	_ =	sdelay $0x1  }
0x99: {  	s4 =	simm.s32 $_scs_section_size  }
0x9a: {  	s5 =	simm.s32 $_size__tile_overlayer_lowered;
	s6 =	simm.s32 $_tile_overlayer_lowered  }
0x9b: {  	s22 =	simm.s32 $0x1BFF;
	s21 =	sshll.u32 s6, $0x1;
	s3 =	sadd.s32 s4, s19  }
0x9c: {  	s7 =	simm.s32 $0x0;
	s20 =	sshll.u32 s5, $0x1;
	s5 =	sadd.s32 s21, s3  }
0x9d: {  	[timem:s7], [sflag:s22] =	dma.local [hbm:s5], s20  }
0x9e: {  	_ =	swait.ge [sflag:s22], s20  }
0x9f: {  	s4 =	ssub.s32 $0x0, s20;
	[sflag:s22] =	ssyncset.done $0x0  }
0xa0: {  	[sflag:s22] =	ssyncadd.s32 s4;
	_ =	sdelay $0x1  }
0xa1: {  	s23 =	simm.s32 $0x1B8B  }
0xa2: {  	_ =	swait.ge [sflag:s23], $0x1  }
0xa3: {  	[sflag:s23] =	ssyncset.done $0x0  }
0xa4: {  	s25 =	simm.s32 $0x1B8E;
	s24 =	sld [smem:$0x3FFE];
	[sflag:s23] =	ssyncadd.s32 $0xFFFFFFFF  }
0xa5: {  	s26 =	simm.s32 $execute0_lowered;
	[smem:$0x3FD2] =	sst s25  }
0xa6: {  	s5 =	sshll.u32 s26, $0x1;
	_ =	strace $0x80000046;
	[dreg:$0x1] =	wrdreg $0xFFFFFFFF  }
0xa7: {  	s28 =	simm.s32 $_size_execute0_lowered;
	s3 =	sadd.s32 s3, s5;
	[dreg:$0x0] =	wrdreg $0x0  }
0xa8: {  	s5 =	sshll.u32 s28, $0x1;
	[dreg:$0x2] =	wrdreg s3  }
0xa9: {  	[dreg:$0x3] =	wrdreg s5  }
0xaa: {  	[dreg:$0x4] =	wrdreg $0xC0  }
0xab: {  	_ =	task [dreg:s7], $0x5FFFF  }
0xac: {  	[dreg:$0x1] =	wrdreg $0xFFFFFFFF  }
0xad: {  	[dreg:$0x0] =	wrdreg $0x60  }
0xae: {  	[dreg:$0x2] =	wrdreg s24  }
0xaf: {  	[dreg:$0x3] =	wrdreg s2  }
0xb0: {  	[dreg:$0x4] =	wrdreg $0x9  }
0xb1: {  	_ =	task.clear_ibuf [dreg:s7], $0x5FFFF;
	_ =	strace $0x90000046  }
0xb2: {  	s29 =	simm.s32 $0x9;
	_ =	strace $0x80000048  }
0xb3: {  	_ =	swait.ge [sflag:s29], $0x1  }
0xb4: {  	[sflag:s29] =	ssyncadd.s32 $0xFFFFFFFF  }
0xb5: {  	_ =	strace $0x90000048  }
0xb6: {  	_ =	sfence  }
0xb7: {  	s30 =	sld [smem:$0x0];
	_ =	sdelay $0x2  }
0xb8: {  	s31 =	sshll.u32 s1, $0xD;
	s1 =	sshrl.u32 s1, $0x2  }
0xb9: {  	s3 =	sand.u32 $0x4000, s31;
	s1 =	sadd.s32 s1, s30  }
0xba: {  	s0 =	sor.u32 s3, s0;
	s1 =	sshll.u32 s1, $0x11  }
0xbb: {  	s0 =	sor.u32 s1, s0  }
0xbc: {  	s0 =	sadd.s32 $0x8F2B, s0  }
0xbd: {  	[sflag:s0] =	ssyncadd.remote.s32 $0x1  }
0xbe: {  	_ =	sfence.sel $0xFFFF  }
0xbf: {  	[dreg:$0x0] =	wrdreg $0xFFFFFFFF;
	(pc) =	sbr.abs _section_cstart, $3  }
0xc0: {  	[dreg:$0x1] =	wrdreg $0xFFFFFFFF  }
0xc1: {  	_ =	task.clear_ibuf [dreg:s7], $0x2FFFF;
	_ =	strace $0x9FFFFFFF  }
0xc2: {  	(tm) =	ssettm $0x7FFFFFFF  }
0xc3: {  	_ =	shalt  }
tec
execute0_lowered:
.L_overlay_start_1:
0x0: {  	(tag) =	ssettag $0x1  }
0x1: {  	s5 =	rddreg [dreg:$0x0]  }
0x2: {  	s2 =	rddreg [dreg:$0x1]  }
0x3: {  	s0 =	rddreg [dreg:$0x2]  }
0x4: {  	s4 =	srdreg.scid;
	s1 =	stileid.u32;
	s3 =	simm.s32 $0x0  }
0x5: {  	s11 =	simm.s32 $0x80;
	s12 =	simm.s32 $0x100;
	s13 =	simm.s32 $0x900  }
0x6: {  	s14 =	simm.s32 $0x1100;
	s15 =	simm.s32 $0x1900;
	s16 =	simm.s32 $0x2100  }
0x7: {  	s17 =	simm.s32 $0x2900;
	s18 =	simm.s32 $0x3100;
	s19 =	simm.s32 $0x3900  }
0x8: {  	s20 =	simm.s32 $0x4100;
	s21 =	simm.s32 $0x4900;
	s22 =	simm.s32 $0x1  }
0x9: {  	s23 =	simm.s32 $0x2;
	s24 =	simm.s32 $0x0;
	s7 =	smul.u32 $0x2710, s1  }
0xa: {  	s6 =	sand.u32 $0x1, s4;
	[smem:$0x7FF] =	sst s3;
	s9 =	smul.u32 $0x4E200, s1  }
0xb: {  	s4 =	sadd.s32 $0xD000, s5;
	s8 =	smul.u32 $0x1388, s6;
	s10 =	ssub.s32 $0x2, s6  }
0xc: {  	_ =	strace $0x80000047;
	s6 =	smul.u32 $0x27100, s6;
	s30 =	sshrl.u32 s10, $0x1  }
0xd: {  	s29 =	sadd.s32 s9, s5;
	s7 =	sadd.s32 s8, s7;
	s9 =	ssub.s32 s10, s30  }
0xe: {  	v2 =	vlaneseq.u32;
	s8 =	sadd.s32 s6, s29;
	s10 =	simm.s32 $0x3;
	s7 =	sshrl.u32 s7, $0x3  }
0xf: {  	vm0 =	vmmov $0xffff;
	v1 =	vshrl.u32 v2, $0x3;
	s6 =	sadd.s32 $0x5B200, s8;
	s31 =	sadd.s32 s7, s5;
	s5 =	smax.u32 s9, $0x1  }
0x10: {  	v0 =	vand.u32 $0x7, v2;
	v2 =	vor.u32 $0x8, v2;
	v1 =	vmul.u32 $0x8, v1;
	s7 =	sadd.s32 $0x53D200, s8;
	s8 =	sadd.s32 $0x8000, s31;
	s9 =	sadd.s32 $0x3000, s31  }
.LBB2_1:
0x11: {  	s25 =	smov.u32 s7;
	s26 =	smov.u32 s6;
	s28 =	simm.s32 $0x0  }
.LBB2_2:
0x12: {  	s29 =	sadd.s32 s28, s9  }
0x13: {  	[tilespmem:s3], [sflag:$0x3] =	stream.linear.gather [hbm4b:s29+s3], $0x28, $0x38;
	[tilespmem:$0x5100] =	vst v63  }
0x14: {  	_ =	swait.ge [sflag:s10], $0x28  }
0x15: {  	[sflag:s10] =	ssyncset.done $0x0  }
0x16: {  	s31 =	sadd.s32 s28, s8;
	[sflag:s10] =	ssyncadd.s32 $0xFFFFFFD8  }
0x17: {  	[tilespmem:s11], [sflag:$0x3] =	stream.linear.gather [hbm4b:s31+s3], $0x28, $0x38;
	[tilespmem:$0x5100] =	vst v63  }
0x18: {  	_ =	swait.ge [sflag:s10], $0x28  }
0x19: {  	[sflag:s10] =	ssyncset.done $0x0  }
0x1a: {  	[sflag:s10] =	ssyncadd.s32 $0xFFFFFFD8  }
0x1b: {  	v3 =	vld [tilespmem:$0x0];
	_ =	sdelay $0x4  }
0x1c: {  	v4 =	vshll.u32 v3, $0x1  }
0x1d: {  	v3 =	vand.u32 $0x7, v3;
	v4 =	vand.u32 $0xFFFFFFF0, v4  }
0x1e: {  	v3 =	vor.u32 v3, v4  }
0x1f: {  	v4 =	vperm.xlane v3, v0;
	_ =	sdelay $0x1  }
0x20: {  	v3 =	vperm.xlane v3, v2;
	v4 =	vadd.s32 v1, v4;
	_ =	sdelay $0x1  }
0x21: {  	v3 =	vadd.s32 v1, v3;
	_ =	sdelay $0x2  }
0x22: {  	[tilespmem:s12], [sflag:$0x1] =	stream.indirect_vreg.gather [hbm4b:s4+s3], $0x80, v4, vm0, $0xb8;
	[tilespmem:$0x5100] =	vst v63  }
0x23: {  	_ = 	snop  }
0x24: {  	[tilespmem:s13], [sflag:$0x1] =	stream.indirect_vreg.gather [hbm4b:s4+s3], $0x80, v3, vm0, $0xb8;
	[tilespmem:$0x5100] =	vst v63  }
0x25: {  	v3 =	vld [tilespmem:$0x10];
	_ =	sdelay $0x4  }
0x26: {  	v59 =	vshll.u32 v3, $0x1  }
0x27: {  	v3 =	vand.u32 $0x7, v3;
	v4 =	vand.u32 $0xFFFFFFF0, v59  }
0x28: {  	v3 =	vor.u32 v3, v4  }
0x29: {  	v4 =	vperm.xlane v3, v0;
	_ =	sdelay $0x1  }
0x2a: {  	v3 =	vperm.xlane v3, v2;
	v4 =	vadd.s32 v1, v4;
	_ =	sdelay $0x1  }
0x2b: {  	v3 =	vadd.s32 v1, v3;
	_ =	sdelay $0x2  }
0x2c: {  	[tilespmem:s14], [sflag:$0x1] =	stream.indirect_vreg.gather [hbm4b:s4+s3], $0x80, v4, vm0, $0xb8;
	[tilespmem:$0x5100] =	vst v63  }
0x2d: {  	_ = 	snop  }
0x2e: {  	[tilespmem:s15], [sflag:$0x1] =	stream.indirect_vreg.gather [hbm4b:s4+s3], $0x80, v3, vm0, $0xb8;
	[tilespmem:$0x5100] =	vst v63  }
0x2f: {  	v3 =	vld.msk [tilespmem:$0x20], $0xff;
	_ =	sdelay $0x4  }
0x30: {  	v60 =	vshll.u32 v3, $0x1  }
0x31: {  	v3 =	vand.u32 $0x7, v3;
	v4 =	vand.u32 $0xFFFFFFF0, v60  }
0x32: {  	v3 =	vor.u32 v3, v4  }
0x33: {  	v3 =	vperm.xlane v3, v0;
	_ =	sdelay $0x1  }
0x34: {  	v3 =	vadd.s32 v1, v3;
	_ =	sdelay $0x4  }
0x35: {  	[tilespmem:s16], [sflag:$0x1] =	stream.indirect_vreg.gather [hbm4b:s4+s3], $0x80, v3, vm0, $0xb8;
	[tilespmem:$0x5100] =	vst v63  }
0x36: {  	v3 =	vld [tilespmem:$0x80];
	_ =	sdelay $0x4  }
0x37: {  	v61 =	vshll.u32 v3, $0x1  }
0x38: {  	v3 =	vand.u32 $0x7, v3;
	v4 =	vand.u32 $0xFFFFFFF0, v61  }
0x39: {  	v3 =	vor.u32 v3, v4  }
0x3a: {  	v4 =	vperm.xlane v3, v0;
	_ =	sdelay $0x1  }
0x3b: {  	v3 =	vperm.xlane v3, v2;
	v4 =	vadd.s32 v1, v4;
	_ =	sdelay $0x1  }
0x3c: {  	v3 =	vadd.s32 v1, v3;
	_ =	sdelay $0x2  }
0x3d: {  	[tilespmem:s17], [sflag:$0x2] =	stream.indirect_vreg.gather [hbm4b:s2+s3], $0x80, v4, vm0, $0xb8;
	[tilespmem:$0x5100] =	vst v63  }
0x3e: {  	_ = 	snop  }
0x3f: {  	[tilespmem:s18], [sflag:$0x2] =	stream.indirect_vreg.gather [hbm4b:s2+s3], $0x80, v3, vm0, $0xb8;
	[tilespmem:$0x5100] =	vst v63  }
0x40: {  	v3 =	vld [tilespmem:$0x90];
	_ =	sdelay $0x4  }
0x41: {  	v62 =	vshll.u32 v3, $0x1  }
0x42: {  	v3 =	vand.u32 $0x7, v3;
	v4 =	vand.u32 $0xFFFFFFF0, v62  }
0x43: {  	v3 =	vor.u32 v3, v4  }
0x44: {  	v4 =	vperm.xlane v3, v0;
	_ =	sdelay $0x1  }
0x45: {  	v3 =	vperm.xlane v3, v2;
	v4 =	vadd.s32 v1, v4;
	_ =	sdelay $0x1  }
0x46: {  	v3 =	vadd.s32 v1, v3;
	_ =	sdelay $0x2  }
0x47: {  	[tilespmem:s19], [sflag:$0x2] =	stream.indirect_vreg.gather [hbm4b:s2+s3], $0x80, v4, vm0, $0xb8;
	[tilespmem:$0x5100] =	vst v63  }
0x48: {  	_ = 	snop  }
0x49: {  	[tilespmem:s20], [sflag:$0x2] =	stream.indirect_vreg.gather [hbm4b:s2+s3], $0x80, v3, vm0, $0xb8;
	[tilespmem:$0x5100] =	vst v63  }
0x4a: {  	v3 =	vld.msk [tilespmem:$0xA0], $0xff;
	_ =	sdelay $0x4  }
0x4b: {  	v63 =	vshll.u32 v3, $0x1  }
0x4c: {  	v3 =	vand.u32 $0x7, v3;
	v4 =	vand.u32 $0xFFFFFFF0, v63  }
0x4d: {  	v3 =	vor.u32 v3, v4  }
0x4e: {  	v3 =	vperm.xlane v3, v0;
	_ =	sdelay $0x1  }
0x4f: {  	v3 =	vadd.s32 v1, v3;
	_ =	sdelay $0x4  }
0x50: {  	[tilespmem:s21], [sflag:$0x2] =	stream.indirect_vreg.gather [hbm4b:s2+s3], $0x80, v3, vm0, $0xb8;
	[tilespmem:$0x5100] =	vst v63  }
0x51: {  	_ =	swait.ge [sflag:s22], $0x2800  }
0x52: {  	[sflag:s22] =	ssyncset.done $0x0  }
0x53: {  	[sflag:s22] =	ssyncadd.s32 $0xFFFFD800  }
0x54: {  	[hbm4b:s26+s3] =	stream.linear.scatter [tilespmem:s12], [sflag:$0x3], $0x2800, $0x38;
	[tilespmem:$0x5100] =	vst v63  }
0x55: {  	_ =	swait.ge [sflag:s10], $0x2800  }
0x56: {  	[sflag:s10] =	ssyncset.done $0x0  }
0x57: {  	[sflag:s10] =	ssyncadd.s32 $0xFFFFD800  }
0x58: {  	_ =	swait.ge [sflag:s23], $0x2800  }
0x59: {  	p0 =	sne.s32 s28, $0x26C;
	[sflag:s23] =	ssyncset.done $0x0  }
.Ltmp0:
0x5a: {  	[sflag:s23] =	ssyncadd.s32 $0xFFFFD800;
	(pc) =	sbr.rel @p0 .LBB2_2-.Ltmp0, $4  }
0x5b: {  	[hbm4b:s25+s3] =	stream.linear.scatter [tilespmem:s17], [sflag:$0x3], $0x2800, $0x38;
	[tilespmem:$0x5100] =	vst v63  }
0x5c: {  	_ =	swait.ge [sflag:s10], $0x2800  }
0x5d: {  	s28 =	sadd.s32 $0x5, s28;
	[sflag:s10] =	ssyncset.done $0x0  }
0x5e: {  	s26 =	sadd.s32 $0x500, s26;
	s25 =	sadd.s32 $0x500, s25;
	[sflag:s10] =	ssyncadd.s32 $0xFFFFD800  }
0x5f: {  	s24 =	sadd.s32 $0x1, s24  }
0x60: {  	p0 =	sne.s32 s24, s5  }
.Ltmp1:
0x61: {  	_ = 	snop;
	(pc) =	sbr.rel @p0 .LBB2_1-.Ltmp1, $1  }
0x62: {  	_ =	sdelay $0x3  }
0x63: {  	_ =	sfence.sel $0x180000  }
0x64: {  	[bflag:$0x0] =	sbarrier.arrive $0xFFFF  }
0x65: {  	p0 =	sne.s32 s1, $0x0;
	_ =	strace $0x90000047  }
0x66: {  	s0 =	sadd.s32 @!p0 $0x100000, s0;
	[bflag:$0x2] =	sbarrier.arrive $0xFFFF  }
0x67: {  	[sflag:s0] =	ssyncadd.tile.s32 @!p0 $0x1;
	_ =	shalt  }
.Lfunc_end2:
_tile_overlayer_lowered:
.L_overlay_start_2:
0x68: {  	(tag) =	ssettag $0x2  }
0x69: {  	s0 =	rddreg [dreg:$0x0];
	s2 =	stileid.u32  }
0x6a: {  	s1 =	rddreg [dreg:$0x1];
	p0 =	sne.s32 s2, $0x0  }
0x6b: {  	s3 =	rddreg [dreg:$0x2];
	[bflag:$0x3] =	sbarrier.arrive $0xFFFF;
	s2 =	simm.s32 @!p0 $0x1C03  }
0x6c: {  	[timem:s3], [sflag:s2] =	dma.local @!p0 [hbm:s0], s1  }
0x6d: {  	s0 =	simm.s32 @!p0 $0x3  }
0x6e: {  	_ =	swait.ge @!p0 [sflag:s0], s1  }
0x6f: {  	s1 =	ssub.s32 @!p0 $0x0, s1;
	[sflag:s0] =	ssyncset.done @!p0 $0x0  }
0x70: {  	[sflag:s0] =	ssyncadd.s32 @!p0 s1  }
0x71: {  	[bflag:$0x3] =	sbarrier.arrive $0xFFFF  }
0x72: {  	_ =	shalt  }

</sc_bundles>
